<compile_context>
chip_gen: v7x
topology: tpu7x:2x2x1
jax: 0.10.2.dev20260603
libtpu: 0.0.44.dev20260713+nightly
codegen_flags: <defaults>
</compile_context>

<pallas_src>
import functools

import jax
import jax.numpy as jnp
from jax import lax
from jax.experimental import pallas as pl
from jax.experimental.pallas import tpu as pltpu
from jax.experimental.pallas import tpu_sc as plsc

N = 100000
D = 128
ROWS = 101
CHUNK = 128

_info = plsc.get_sparse_core_info()
NC, NS = _info.num_cores, _info.num_subcores
NW = NC * NS
TPW = -(-N // (CHUNK * NW))
NBUF = 5
G = TPW // NBUF

_mesh = plsc.VectorSubcoreMesh(core_axis_name="c", subcore_axis_name="s")


@functools.partial(
    pl.kernel,
    mesh=_mesh,
    compiler_params=pltpu.CompilerParams(needs_layout_passes=False),
    out_type=jax.ShapeDtypeStruct((N, D), jnp.float32),
    scratch_types=(
        [pltpu.VMEM_SHARED((ROWS, D), jnp.float32)]
        + [pltpu.VMEM((CHUNK,), jnp.int32) for _ in range(NBUF)]
        + [pltpu.VMEM((CHUNK, D), jnp.float32) for _ in range(NBUF)]
        + [
            pltpu.SemaphoreType.DMA((NBUF,)),
            pltpu.SemaphoreType.DMA((NBUF,)),
            pltpu.SemaphoreType.DMA((NBUF,)),
        ]
    ),
)
def _emb_lookup(z_hbm, table_hbm, out_hbm, table_sh, *rest):
    idx_v = rest[:NBUF]
    rows_v = rest[NBUF : 2 * NBUF]
    sem_i = rest[2 * NBUF]
    sem_o = rest[2 * NBUF + 1]
    sem_g = rest[2 * NBUF + 2]
    wid = lax.axis_index("s") * NC + lax.axis_index("c")

    def base_of(t):
        return jnp.minimum((t * NW + wid) * CHUNK, N - CHUNK)

    def idx_copy(t, b):
        return pltpu.make_async_copy(
            z_hbm.at[pl.ds(base_of(t), CHUNK)], idx_v[b], sem_i.at[b]
        )

    def out_copy(t, b):
        return pltpu.make_async_copy(
            rows_v[b], out_hbm.at[pl.ds(base_of(t), CHUNK)], sem_o.at[b]
        )

    def gather_copy(b):
        return pltpu.make_async_copy(
            table_sh.at[idx_v[b]], rows_v[b], sem_g.at[b]
        )

    for b in range(NBUF):
        idx_copy(b, b).start()

    @pl.when(lax.axis_index("s") == 0)
    def _stage_shared():
        pltpu.sync_copy(table_hbm, table_sh)

    plsc.subcore_barrier()

    def group(g, carry):
        for b in range(NBUF):
            t = g * NBUF + b
            idx_copy(t, b).wait()

            @pl.when(g > 0)
            def _drain_prev_store():
                out_copy(t, b).wait()

            gather_copy(b).start()

        for b in range(NBUF):
            t = g * NBUF + b
            gather_copy(b).wait()
            out_copy(t, b).start()

            @pl.when(g < G - 1)
            def _prefetch_idx():
                idx_copy(t + NBUF, b).start()

        return carry

    lax.fori_loop(0, G, group, 0)

    for b in range(NBUF):
        out_copy((G - 1) * NBUF + b, b).wait()


def kernel(z, emb_table):
    return _emb_lookup(z, emb_table)

# --- scband reference (transcript-rebuilt; emitter-appended) ---
"""Pipeline reference for scband-atom-encoder-78993038508735 (READ-ONLY COPY).

The authoritative reference and input builder live on the scoring server;
editing this copy changes nothing except your own understanding.
"""

import jax, jax.numpy as jnp
import numpy as np

MAX_Z = 100
EMB_DIM = 128
N_ATOMS = 100000

def setup_inputs(seed: int = 0) -> dict:
    key = jax.random.key(seed)
    k1, k2 = jax.random.split(key)
    z = jax.random.randint(k1, (N_ATOMS,), 0, 101, dtype=jnp.int64 if jax.config.jax_enable_x64 else jnp.int32).astype(jnp.int32)
    emb_table = jax.random.normal(k2, (MAX_Z + 1, EMB_DIM), dtype=jnp.float32)
    return {"z": z, "emb_table": emb_table}

def reference(z, emb_table):
    num_embeddings = emb_table.shape[0]
    z_clamped = jnp.clip(z, 0, num_embeddings - 1)
    return jnp.take(emb_table, z_clamped, axis=0)

if __name__ == "__main__":
    import jax
    _d = setup_inputs()
    print(jax.jit(kernel)(*tuple(_d.values())))

</pallas_src>

<mosaic_0001>
#map = affine_map<(d0, d1) -> (0)>
#map1 = affine_map<(d0, d1) -> (0, 0)>
module attributes {stable_mosaic.version = 14 : i64} {
  func.func @_emb_lookup(%arg0: i32, %arg1: i32, %arg2: memref<100000xi32, #tpu.memory_space<hbm>>, %arg3: memref<101x128xf32, #tpu.memory_space<hbm>>, %arg4: memref<100000x128xf32, #tpu.memory_space<hbm>>, %arg5: memref<101x128xf32, #tpu.memory_space<vmem_shared>>, %arg6: memref<128xi32, #tpu.memory_space<vmem>>, %arg7: memref<128xi32, #tpu.memory_space<vmem>>, %arg8: memref<128xi32, #tpu.memory_space<vmem>>, %arg9: memref<128xi32, #tpu.memory_space<vmem>>, %arg10: memref<128xi32, #tpu.memory_space<vmem>>, %arg11: memref<128x128xf32, #tpu.memory_space<vmem>>, %arg12: memref<128x128xf32, #tpu.memory_space<vmem>>, %arg13: memref<128x128xf32, #tpu.memory_space<vmem>>, %arg14: memref<128x128xf32, #tpu.memory_space<vmem>>, %arg15: memref<128x128xf32, #tpu.memory_space<vmem>>, %arg16: memref<5x!tpu.dma_semaphore, #tpu.memory_space<semaphore_mem>>, %arg17: memref<5x!tpu.dma_semaphore, #tpu.memory_space<semaphore_mem>>, %arg18: memref<5x!tpu.dma_semaphore, #tpu.memory_space<semaphore_mem>>) attributes {dimension_semantics = [#tpu.dimension_semantics<core_parallel>, #tpu.dimension_semantics<subcore_parallel>], iteration_bounds = array<i64: 2, 16>, scalar_prefetch = 0 : i64, scratch_operands = 14 : i64, tpu.core_type = #tpu.core_type<sc_vector_subcore>, window_params = [{transform_indices = #map}, {transform_indices = #map1}, {transform_indices = #map1}]} {
    %mul3A = arith.constant 2 : i32
    %mul3A_0 = arith.muli %arg1, %mul3A : i32
    %add3A = arith.addi %mul3A_0, %arg0 : i32
    %add3A_1 = arith.constant 0 : i32
    %add3A_2 = arith.addi %add3A_1, %add3A : i32
    %mul3A_3 = arith.constant 128 : i32
    %mul3A_4 = arith.muli %add3A_2, %mul3A_3 : i32
    %min3A = arith.constant 99872 : i32
    %min3A_5 = arith.minsi %mul3A_4, %min3A : i32
    %dma_start3A = arith.constant 0 : i32
    %dma_start3A_6 = tpu.memref_slice %arg2[%min3A_5] : memref<100000xi32, #tpu.memory_space<hbm>> -> memref<128xi32, #tpu.memory_space<hbm>>
    %dma_start3A_7 = tpu.memref_slice %arg16[%dma_start3A] : memref<5x!tpu.dma_semaphore, #tpu.memory_space<semaphore_mem>> -> memref<1x!tpu.dma_semaphore, #tpu.memory_space<semaphore_mem>>
    %dma_start3A_8 = tpu.memref_squeeze %dma_start3A_7 : memref<1x!tpu.dma_semaphore, #tpu.memory_space<semaphore_mem>> -> memref<!tpu.dma_semaphore, #tpu.memory_space<semaphore_mem>>
    %dma_start3A_9 = tpu.memref_slice %arg2[%min3A_5] : memref<100000xi32, #tpu.memory_space<hbm>> -> memref<128xi32, #tpu.memory_space<hbm>>
    tpu.enqueue_dma source(%dma_start3A_9 : memref<128xi32, #tpu.memory_space<hbm>>) target(%arg6 : memref<128xi32, #tpu.memory_space<vmem>>) target_semaphore(%dma_start3A_8 : memref<!tpu.dma_semaphore, #tpu.memory_space<semaphore_mem>>)
    %add3A_10 = arith.constant 32 : i32
    %add3A_11 = arith.addi %add3A_10, %add3A : i32
    %mul3A_12 = arith.constant 128 : i32
    %mul3A_13 = arith.muli %add3A_11, %mul3A_12 : i32
    %min3A_14 = arith.constant 99872 : i32
    %min3A_15 = arith.minsi %mul3A_13, %min3A_14 : i32
    %dma_start3A_16 = arith.constant 1 : i32
    %dma_start3A_17 = tpu.memref_slice %arg2[%min3A_15] : memref<100000xi32, #tpu.memory_space<hbm>> -> memref<128xi32, #tpu.memory_space<hbm>>
    %dma_start3A_18 = tpu.memref_slice %arg16[%dma_start3A_16] : memref<5x!tpu.dma_semaphore, #tpu.memory_space<semaphore_mem>> -> memref<1x!tpu.dma_semaphore, #tpu.memory_space<semaphore_mem>>
    %dma_start3A_19 = tpu.memref_squeeze %dma_start3A_18 : memref<1x!tpu.dma_semaphore, #tpu.memory_space<semaphore_mem>> -> memref<!tpu.dma_semaphore, #tpu.memory_space<semaphore_mem>>
    %dma_start3A_20 = tpu.memref_slice %arg2[%min3A_15] : memref<100000xi32, #tpu.memory_space<hbm>> -> memref<128xi32, #tpu.memory_space<hbm>>
    tpu.enqueue_dma source(%dma_start3A_20 : memref<128xi32, #tpu.memory_space<hbm>>) target(%arg7 : memref<128xi32, #tpu.memory_space<vmem>>) target_semaphore(%dma_start3A_19 : memref<!tpu.dma_semaphore, #tpu.memory_space<semaphore_mem>>)
    %add3A_21 = arith.constant 64 : i32
    %add3A_22 = arith.addi %add3A_21, %add3A : i32
    %mul3A_23 = arith.constant 128 : i32
    %mul3A_24 = arith.muli %add3A_22, %mul3A_23 : i32
    %min3A_25 = arith.constant 99872 : i32
    %min3A_26 = arith.minsi %mul3A_24, %min3A_25 : i32
    %dma_start3A_27 = arith.constant 2 : i32
    %dma_start3A_28 = tpu.memref_slice %arg2[%min3A_26] : memref<100000xi32, #tpu.memory_space<hbm>> -> memref<128xi32, #tpu.memory_space<hbm>>
    %dma_start3A_29 = tpu.memref_slice %arg16[%dma_start3A_27] : memref<5x!tpu.dma_semaphore, #tpu.memory_space<semaphore_mem>> -> memref<1x!tpu.dma_semaphore, #tpu.memory_space<semaphore_mem>>
    %dma_start3A_30 = tpu.memref_squeeze %dma_start3A_29 : memref<1x!tpu.dma_semaphore, #tpu.memory_space<semaphore_mem>> -> memref<!tpu.dma_semaphore, #tpu.memory_space<semaphore_mem>>
    %dma_start3A_31 = tpu.memref_slice %arg2[%min3A_26] : memref<100000xi32, #tpu.memory_space<hbm>> -> memref<128xi32, #tpu.memory_space<hbm>>
    tpu.enqueue_dma source(%dma_start3A_31 : memref<128xi32, #tpu.memory_space<hbm>>) target(%arg8 : memref<128xi32, #tpu.memory_space<vmem>>) target_semaphore(%dma_start3A_30 : memref<!tpu.dma_semaphore, #tpu.memory_space<semaphore_mem>>)
    %add3A_32 = arith.constant 96 : i32
    %add3A_33 = arith.addi %add3A_32, %add3A : i32
    %mul3A_34 = arith.constant 128 : i32
    %mul3A_35 = arith.muli %add3A_33, %mul3A_34 : i32
    %min3A_36 = arith.constant 99872 : i32
    %min3A_37 = arith.minsi %mul3A_35, %min3A_36 : i32
    %dma_start3A_38 = arith.constant 3 : i32
    %dma_start3A_39 = tpu.memref_slice %arg2[%min3A_37] : memref<100000xi32, #tpu.memory_space<hbm>> -> memref<128xi32, #tpu.memory_space<hbm>>
    %dma_start3A_40 = tpu.memref_slice %arg16[%dma_start3A_38] : memref<5x!tpu.dma_semaphore, #tpu.memory_space<semaphore_mem>> -> memref<1x!tpu.dma_semaphore, #tpu.memory_space<semaphore_mem>>
    %dma_start3A_41 = tpu.memref_squeeze %dma_start3A_40 : memref<1x!tpu.dma_semaphore, #tpu.memory_space<semaphore_mem>> -> memref<!tpu.dma_semaphore, #tpu.memory_space<semaphore_mem>>
    %dma_start3A_42 = tpu.memref_slice %arg2[%min3A_37] : memref<100000xi32, #tpu.memory_space<hbm>> -> memref<128xi32, #tpu.memory_space<hbm>>
    tpu.enqueue_dma source(%dma_start3A_42 : memref<128xi32, #tpu.memory_space<hbm>>) target(%arg9 : memref<128xi32, #tpu.memory_space<vmem>>) target_semaphore(%dma_start3A_41 : memref<!tpu.dma_semaphore, #tpu.memory_space<semaphore_mem>>)
    %add3A_43 = arith.constant 128 : i32
    %add3A_44 = arith.addi %add3A_43, %add3A : i32
    %mul3A_45 = arith.constant 128 : i32
    %mul3A_46 = arith.muli %add3A_44, %mul3A_45 : i32
    %min3A_47 = arith.constant 99872 : i32
    %min3A_48 = arith.minsi %mul3A_46, %min3A_47 : i32
    %dma_start3A_49 = arith.constant 4 : i32
    %dma_start3A_50 = tpu.memref_slice %arg2[%min3A_48] : memref<100000xi32, #tpu.memory_space<hbm>> -> memref<128xi32, #tpu.memory_space<hbm>>
    %dma_start3A_51 = tpu.memref_slice %arg16[%dma_start3A_49] : memref<5x!tpu.dma_semaphore, #tpu.memory_space<semaphore_mem>> -> memref<1x!tpu.dma_semaphore, #tpu.memory_space<semaphore_mem>>
    %dma_start3A_52 = tpu.memref_squeeze %dma_start3A_51 : memref<1x!tpu.dma_semaphore, #tpu.memory_space<semaphore_mem>> -> memref<!tpu.dma_semaphore, #tpu.memory_space<semaphore_mem>>
    %dma_start3A_53 = tpu.memref_slice %arg2[%min3A_48] : memref<100000xi32, #tpu.memory_space<hbm>> -> memref<128xi32, #tpu.memory_space<hbm>>
    tpu.enqueue_dma source(%dma_start3A_53 : memref<128xi32, #tpu.memory_space<hbm>>) target(%arg10 : memref<128xi32, #tpu.memory_space<vmem>>) target_semaphore(%dma_start3A_52 : memref<!tpu.dma_semaphore, #tpu.memory_space<semaphore_mem>>)
    %eq3A = arith.constant 0 : i32
    %eq3A_54 = arith.cmpi eq, %arg1, %eq3A : i32
    %convert_element_type3A = arith.extui %eq3A_54 : i1 to i32
    %cond3A = arith.constant 0 : i32
    %cond3A_55 = arith.cmpi ne, %convert_element_type3A, %cond3A : i32
    scf.if %cond3A_55 {
      "tpu.region"() ({
        %run_scoped3A = tpu.sem_alloc : memref<!tpu.dma_semaphore, #tpu.memory_space<semaphore_mem>>
        tpu.enqueue_dma source(%arg3 : memref<101x128xf32, #tpu.memory_space<hbm>>) target(%arg5 : memref<101x128xf32, #tpu.memory_space<vmem_shared>>) target_semaphore(%run_scoped3A : memref<!tpu.dma_semaphore, #tpu.memory_space<semaphore_mem>>)
        tpu.wait_dma2 semaphore(%run_scoped3A : memref<!tpu.dma_semaphore, #tpu.memory_space<semaphore_mem>>) src(%arg3 : memref<101x128xf32, #tpu.memory_space<hbm>>) dst(%arg5 : memref<101x128xf32, #tpu.memory_space<vmem_shared>>)
        tpu.yield
      }) : () -> ()
    } else {
    }
    %barrier3A = arith.constant 0 : index
    tpu.barrier barrier_id(%barrier3A)
    %scan3A = arith.constant 0 : i32
    %scan3A_56 = arith.constant 0 : i32
    %scan3A_57 = arith.constant 5 : i32
    %scan3A_58 = arith.addi %scan3A_56, %scan3A_57 : i32
    %scan3A_59 = arith.constant 1 : i32
    scf.for %scan3A_125 = %scan3A_56 to %scan3A_58 step %scan3A_59  : i32 {
      %mul3A_126 = arith.constant 5 : i32
      %mul3A_127 = arith.muli %scan3A_125, %mul3A_126 : i32
      %add3A_128 = arith.constant 0 : i32
      %add3A_129 = arith.addi %mul3A_127, %add3A_128 : i32
      %mul3A_130 = arith.constant 32 : i32
      %mul3A_131 = arith.muli %add3A_129, %mul3A_130 : i32
      %add3A_132 = arith.addi %mul3A_131, %add3A : i32
      %mul3A_133 = arith.constant 128 : i32
      %mul3A_134 = arith.muli %add3A_132, %mul3A_133 : i32
      %min3A_135 = arith.constant 99872 : i32
      %min3A_136 = arith.minsi %mul3A_134, %min3A_135 : i32
      %dma_wait3A_137 = arith.constant 0 : i32
      %dma_wait3A_138 = tpu.memref_slice %arg2[%min3A_136] : memref<100000xi32, #tpu.memory_space<hbm>> -> memref<128xi32, #tpu.memory_space<hbm>>
      %dma_wait3A_139 = tpu.memref_slice %arg16[%dma_wait3A_137] : memref<5x!tpu.dma_semaphore, #tpu.memory_space<semaphore_mem>> -> memref<1x!tpu.dma_semaphore, #tpu.memory_space<semaphore_mem>>
      %dma_wait3A_140 = tpu.memref_squeeze %dma_wait3A_139 : memref<1x!tpu.dma_semaphore, #tpu.memory_space<semaphore_mem>> -> memref<!tpu.dma_semaphore, #tpu.memory_space<semaphore_mem>>
      %dma_wait3A_141 = tpu.memref_slice %arg2[%min3A_136] : memref<100000xi32, #tpu.memory_space<hbm>> -> memref<128xi32, #tpu.memory_space<hbm>>
      tpu.wait_dma2 semaphore(%dma_wait3A_140 : memref<!tpu.dma_semaphore, #tpu.memory_space<semaphore_mem>>) src(%dma_wait3A_141 : memref<128xi32, #tpu.memory_space<hbm>>) dst(%arg6 : memref<128xi32, #tpu.memory_space<vmem>>)
      %gt3A = arith.constant 0 : i32
      %gt3A_142 = arith.cmpi sgt, %scan3A_125, %gt3A : i32
      %convert_element_type3A_143 = arith.extui %gt3A_142 : i1 to i32
      %cond3A_144 = arith.constant 0 : i32
      %cond3A_145 = arith.cmpi ne, %convert_element_type3A_143, %cond3A_144 : i32
      scf.if %cond3A_145 {
        %mul3A_404 = arith.constant 32 : i32
        %mul3A_405 = arith.muli %add3A_129, %mul3A_404 : i32
        %add3A_406 = arith.addi %mul3A_405, %add3A : i32
        %mul3A_407 = arith.constant 128 : i32
        %mul3A_408 = arith.muli %add3A_406, %mul3A_407 : i32
        %min3A_409 = arith.constant 99872 : i32
        %min3A_410 = arith.minsi %mul3A_408, %min3A_409 : i32
        %dma_wait3A_411 = arith.constant 0 : i32
        %dma_wait3A_412 = arith.constant 0 : i32
        %dma_wait3A_413 = tpu.memref_slice %arg4[%min3A_410, %dma_wait3A_412] : memref<100000x128xf32, #tpu.memory_space<hbm>> -> memref<128x128xf32, #tpu.memory_space<hbm>>
        %dma_wait3A_414 = tpu.memref_slice %arg17[%dma_wait3A_411] : memref<5x!tpu.dma_semaphore, #tpu.memory_space<semaphore_mem>> -> memref<1x!tpu.dma_semaphore, #tpu.memory_space<semaphore_mem>>
        %dma_wait3A_415 = tpu.memref_squeeze %dma_wait3A_414 : memref<1x!tpu.dma_semaphore, #tpu.memory_space<semaphore_mem>> -> memref<!tpu.dma_semaphore, #tpu.memory_space<semaphore_mem>>
        %dma_wait3A_416 = arith.constant 0 : i32
        %dma_wait3A_417 = tpu.memref_slice %arg4[%min3A_410, %dma_wait3A_416] : memref<100000x128xf32, #tpu.memory_space<hbm>> -> memref<128x128xf32, #tpu.memory_space<hbm>>
        tpu.wait_dma2 semaphore(%dma_wait3A_415 : memref<!tpu.dma_semaphore, #tpu.memory_space<semaphore_mem>>) src(%arg11 : memref<128x128xf32, #tpu.memory_space<vmem>>) dst(%dma_wait3A_417 : memref<128x128xf32, #tpu.memory_space<hbm>>)
      } else {
      }
      %dma_start3A_146 = arith.constant 0 : i32
      %dma_start3A_147 = arith.constant 0 : i32
      %dma_start3A_148 = arith.constant 0 : i32
      %dma_start3A_149 = tpu.memref_slice %arg5[%dma_start3A_147, %dma_start3A_148] : memref<101x128xf32, #tpu.memory_space<vmem_shared>> -> memref<101x128xf32, #tpu.memory_space<vmem_shared>>
      %dma_start3A_150 = tpu.memref_slice %arg18[%dma_start3A_146] : memref<5x!tpu.dma_semaphore, #tpu.memory_space<semaphore_mem>> -> memref<1x!tpu.dma_semaphore, #tpu.memory_space<semaphore_mem>>
      %dma_start3A_151 = tpu.memref_squeeze %dma_start3A_150 : memref<1x!tpu.dma_semaphore, #tpu.memory_space<semaphore_mem>> -> memref<!tpu.dma_semaphore, #tpu.memory_space<semaphore_mem>>
      tpu.enqueue_indirect_dma source(%dma_start3A_149 : memref<101x128xf32, #tpu.memory_space<vmem_shared>>) target(%arg11 : memref<128x128xf32, #tpu.memory_space<vmem>>) offsets(%arg6 : memref<128xi32, #tpu.memory_space<vmem>>) semaphore(%dma_start3A_151 : memref<!tpu.dma_semaphore, #tpu.memory_space<semaphore_mem>>)
      %mul3A_152 = arith.constant 5 : i32
      %mul3A_153 = arith.muli %scan3A_125, %mul3A_152 : i32
      %add3A_154 = arith.constant 1 : i32
      %add3A_155 = arith.addi %mul3A_153, %add3A_154 : i32
      %mul3A_156 = arith.constant 32 : i32
      %mul3A_157 = arith.muli %add3A_155, %mul3A_156 : i32
      %add3A_158 = arith.addi %mul3A_157, %add3A : i32
      %mul3A_159 = arith.constant 128 : i32
      %mul3A_160 = arith.muli %add3A_158, %mul3A_159 : i32
      %min3A_161 = arith.constant 99872 : i32
      %min3A_162 = arith.minsi %mul3A_160, %min3A_161 : i32
      %dma_wait3A_163 = arith.constant 1 : i32
      %dma_wait3A_164 = tpu.memref_slice %arg2[%min3A_162] : memref<100000xi32, #tpu.memory_space<hbm>> -> memref<128xi32, #tpu.memory_space<hbm>>
      %dma_wait3A_165 = tpu.memref_slice %arg16[%dma_wait3A_163] : memref<5x!tpu.dma_semaphore, #tpu.memory_space<semaphore_mem>> -> memref<1x!tpu.dma_semaphore, #tpu.memory_space<semaphore_mem>>
      %dma_wait3A_166 = tpu.memref_squeeze %dma_wait3A_165 : memref<1x!tpu.dma_semaphore, #tpu.memory_space<semaphore_mem>> -> memref<!tpu.dma_semaphore, #tpu.memory_space<semaphore_mem>>
      %dma_wait3A_167 = tpu.memref_slice %arg2[%min3A_162] : memref<100000xi32, #tpu.memory_space<hbm>> -> memref<128xi32, #tpu.memory_space<hbm>>
      tpu.wait_dma2 semaphore(%dma_wait3A_166 : memref<!tpu.dma_semaphore, #tpu.memory_space<semaphore_mem>>) src(%dma_wait3A_167 : memref<128xi32, #tpu.memory_space<hbm>>) dst(%arg7 : memref<128xi32, #tpu.memory_space<vmem>>)
      %gt3A_168 = arith.constant 0 : i32
      %gt3A_169 = arith.cmpi sgt, %scan3A_125, %gt3A_168 : i32
      %convert_element_type3A_170 = arith.extui %gt3A_169 : i1 to i32
      %cond3A_171 = arith.constant 0 : i32
      %cond3A_172 = arith.cmpi ne, %convert_element_type3A_170, %cond3A_171 : i32
      scf.if %cond3A_172 {
        %mul3A_404 = arith.constant 32 : i32
        %mul3A_405 = arith.muli %add3A_155, %mul3A_404 : i32
        %add3A_406 = arith.addi %mul3A_405, %add3A : i32
        %mul3A_407 = arith.constant 128 : i32
        %mul3A_408 = arith.muli %add3A_406, %mul3A_407 : i32
        %min3A_409 = arith.constant 99872 : i32
        %min3A_410 = arith.minsi %mul3A_408, %min3A_409 : i32
        %dma_wait3A_411 = arith.constant 1 : i32
        %dma_wait3A_412 = arith.constant 0 : i32
        %dma_wait3A_413 = tpu.memref_slice %arg4[%min3A_410, %dma_wait3A_412] : memref<100000x128xf32, #tpu.memory_space<hbm>> -> memref<128x128xf32, #tpu.memory_space<hbm>>
        %dma_wait3A_414 = tpu.memref_slice %arg17[%dma_wait3A_411] : memref<5x!tpu.dma_semaphore, #tpu.memory_space<semaphore_mem>> -> memref<1x!tpu.dma_semaphore, #tpu.memory_space<semaphore_mem>>
        %dma_wait3A_415 = tpu.memref_squeeze %dma_wait3A_414 : memref<1x!tpu.dma_semaphore, #tpu.memory_space<semaphore_mem>> -> memref<!tpu.dma_semaphore, #tpu.memory_space<semaphore_mem>>
        %dma_wait3A_416 = arith.constant 0 : i32
        %dma_wait3A_417 = tpu.memref_slice %arg4[%min3A_410, %dma_wait3A_416] : memref<100000x128xf32, #tpu.memory_space<hbm>> -> memref<128x128xf32, #tpu.memory_space<hbm>>
        tpu.wait_dma2 semaphore(%dma_wait3A_415 : memref<!tpu.dma_semaphore, #tpu.memory_space<semaphore_mem>>) src(%arg12 : memref<128x128xf32, #tpu.memory_space<vmem>>) dst(%dma_wait3A_417 : memref<128x128xf32, #tpu.memory_space<hbm>>)
      } else {
      }
      %dma_start3A_173 = arith.constant 1 : i32
      %dma_start3A_174 = arith.constant 0 : i32
      %dma_start3A_175 = arith.constant 0 : i32
      %dma_start3A_176 = tpu.memref_slice %arg5[%dma_start3A_174, %dma_start3A_175] : memref<101x128xf32, #tpu.memory_space<vmem_shared>> -> memref<101x128xf32, #tpu.memory_space<vmem_shared>>
      %dma_start3A_177 = tpu.memref_slice %arg18[%dma_start3A_173] : memref<5x!tpu.dma_semaphore, #tpu.memory_space<semaphore_mem>> -> memref<1x!tpu.dma_semaphore, #tpu.memory_space<semaphore_mem>>
      %dma_start3A_178 = tpu.memref_squeeze %dma_start3A_177 : memref<1x!tpu.dma_semaphore, #tpu.memory_space<semaphore_mem>> -> memref<!tpu.dma_semaphore, #tpu.memory_space<semaphore_mem>>
      tpu.enqueue_indirect_dma source(%dma_start3A_176 : memref<101x128xf32, #tpu.memory_space<vmem_shared>>) target(%arg12 : memref<128x128xf32, #tpu.memory_space<vmem>>) offsets(%arg7 : memref<128xi32, #tpu.memory_space<vmem>>) semaphore(%dma_start3A_178 : memref<!tpu.dma_semaphore, #tpu.memory_space<semaphore_mem>>)
      %mul3A_179 = arith.constant 5 : i32
      %mul3A_180 = arith.muli %scan3A_125, %mul3A_179 : i32
      %add3A_181 = arith.constant 2 : i32
      %add3A_182 = arith.addi %mul3A_180, %add3A_181 : i32
      %mul3A_183 = arith.constant 32 : i32
      %mul3A_184 = arith.muli %add3A_182, %mul3A_183 : i32
      %add3A_185 = arith.addi %mul3A_184, %add3A : i32
      %mul3A_186 = arith.constant 128 : i32
      %mul3A_187 = arith.muli %add3A_185, %mul3A_186 : i32
      %min3A_188 = arith.constant 99872 : i32
      %min3A_189 = arith.minsi %mul3A_187, %min3A_188 : i32
      %dma_wait3A_190 = arith.constant 2 : i32
      %dma_wait3A_191 = tpu.memref_slice %arg2[%min3A_189] : memref<100000xi32, #tpu.memory_space<hbm>> -> memref<128xi32, #tpu.memory_space<hbm>>
      %dma_wait3A_192 = tpu.memref_slice %arg16[%dma_wait3A_190] : memref<5x!tpu.dma_semaphore, #tpu.memory_space<semaphore_mem>> -> memref<1x!tpu.dma_semaphore, #tpu.memory_space<semaphore_mem>>
      %dma_wait3A_193 = tpu.memref_squeeze %dma_wait3A_192 : memref<1x!tpu.dma_semaphore, #tpu.memory_space<semaphore_mem>> -> memref<!tpu.dma_semaphore, #tpu.memory_space<semaphore_mem>>
      %dma_wait3A_194 = tpu.memref_slice %arg2[%min3A_189] : memref<100000xi32, #tpu.memory_space<hbm>> -> memref<128xi32, #tpu.memory_space<hbm>>
      tpu.wait_dma2 semaphore(%dma_wait3A_193 : memref<!tpu.dma_semaphore, #tpu.memory_space<semaphore_mem>>) src(%dma_wait3A_194 : memref<128xi32, #tpu.memory_space<hbm>>) dst(%arg8 : memref<128xi32, #tpu.memory_space<vmem>>)
      %gt3A_195 = arith.constant 0 : i32
      %gt3A_196 = arith.cmpi sgt, %scan3A_125, %gt3A_195 : i32
      %convert_element_type3A_197 = arith.extui %gt3A_196 : i1 to i32
      %cond3A_198 = arith.constant 0 : i32
      %cond3A_199 = arith.cmpi ne, %convert_element_type3A_197, %cond3A_198 : i32
      scf.if %cond3A_199 {
        %mul3A_404 = arith.constant 32 : i32
        %mul3A_405 = arith.muli %add3A_182, %mul3A_404 : i32
        %add3A_406 = arith.addi %mul3A_405, %add3A : i32
        %mul3A_407 = arith.constant 128 : i32
        %mul3A_408 = arith.muli %add3A_406, %mul3A_407 : i32
        %min3A_409 = arith.constant 99872 : i32
        %min3A_410 = arith.minsi %mul3A_408, %min3A_409 : i32
        %dma_wait3A_411 = arith.constant 2 : i32
        %dma_wait3A_412 = arith.constant 0 : i32
        %dma_wait3A_413 = tpu.memref_slice %arg4[%min3A_410, %dma_wait3A_412] : memref<100000x128xf32, #tpu.memory_space<hbm>> -> memref<128x128xf32, #tpu.memory_space<hbm>>
        %dma_wait3A_414 = tpu.memref_slice %arg17[%dma_wait3A_411] : memref<5x!tpu.dma_semaphore, #tpu.memory_space<semaphore_mem>> -> memref<1x!tpu.dma_semaphore, #tpu.memory_space<semaphore_mem>>
        %dma_wait3A_415 = tpu.memref_squeeze %dma_wait3A_414 : memref<1x!tpu.dma_semaphore, #tpu.memory_space<semaphore_mem>> -> memref<!tpu.dma_semaphore, #tpu.memory_space<semaphore_mem>>
        %dma_wait3A_416 = arith.constant 0 : i32
        %dma_wait3A_417 = tpu.memref_slice %arg4[%min3A_410, %dma_wait3A_416] : memref<100000x128xf32, #tpu.memory_space<hbm>> -> memref<128x128xf32, #tpu.memory_space<hbm>>
        tpu.wait_dma2 semaphore(%dma_wait3A_415 : memref<!tpu.dma_semaphore, #tpu.memory_space<semaphore_mem>>) src(%arg13 : memref<128x128xf32, #tpu.memory_space<vmem>>) dst(%dma_wait3A_417 : memref<128x128xf32, #tpu.memory_space<hbm>>)
      } else {
      }
      %dma_start3A_200 = arith.constant 2 : i32
      %dma_start3A_201 = arith.constant 0 : i32
      %dma_start3A_202 = arith.constant 0 : i32
      %dma_start3A_203 = tpu.memref_slice %arg5[%dma_start3A_201, %dma_start3A_202] : memref<101x128xf32, #tpu.memory_space<vmem_shared>> -> memref<101x128xf32, #tpu.memory_space<vmem_shared>>
      %dma_start3A_204 = tpu.memref_slice %arg18[%dma_start3A_200] : memref<5x!tpu.dma_semaphore, #tpu.memory_space<semaphore_mem>> -> memref<1x!tpu.dma_semaphore, #tpu.memory_space<semaphore_mem>>
      %dma_start3A_205 = tpu.memref_squeeze %dma_start3A_204 : memref<1x!tpu.dma_semaphore, #tpu.memory_space<semaphore_mem>> -> memref<!tpu.dma_semaphore, #tpu.memory_space<semaphore_mem>>
      tpu.enqueue_indirect_dma source(%dma_start3A_203 : memref<101x128xf32, #tpu.memory_space<vmem_shared>>) target(%arg13 : memref<128x128xf32, #tpu.memory_space<vmem>>) offsets(%arg8 : memref<128xi32, #tpu.memory_space<vmem>>) semaphore(%dma_start3A_205 : memref<!tpu.dma_semaphore, #tpu.memory_space<semaphore_mem>>)
      %mul3A_206 = arith.constant 5 : i32
      %mul3A_207 = arith.muli %scan3A_125, %mul3A_206 : i32
      %add3A_208 = arith.constant 3 : i32
      %add3A_209 = arith.addi %mul3A_207, %add3A_208 : i32
      %mul3A_210 = arith.constant 32 : i32
      %mul3A_211 = arith.muli %add3A_209, %mul3A_210 : i32
      %add3A_212 = arith.addi %mul3A_211, %add3A : i32
      %mul3A_213 = arith.constant 128 : i32
      %mul3A_214 = arith.muli %add3A_212, %mul3A_213 : i32
      %min3A_215 = arith.constant 99872 : i32
      %min3A_216 = arith.minsi %mul3A_214, %min3A_215 : i32
      %dma_wait3A_217 = arith.constant 3 : i32
      %dma_wait3A_218 = tpu.memref_slice %arg2[%min3A_216] : memref<100000xi32, #tpu.memory_space<hbm>> -> memref<128xi32, #tpu.memory_space<hbm>>
      %dma_wait3A_219 = tpu.memref_slice %arg16[%dma_wait3A_217] : memref<5x!tpu.dma_semaphore, #tpu.memory_space<semaphore_mem>> -> memref<1x!tpu.dma_semaphore, #tpu.memory_space<semaphore_mem>>
      %dma_wait3A_220 = tpu.memref_squeeze %dma_wait3A_219 : memref<1x!tpu.dma_semaphore, #tpu.memory_space<semaphore_mem>> -> memref<!tpu.dma_semaphore, #tpu.memory_space<semaphore_mem>>
      %dma_wait3A_221 = tpu.memref_slice %arg2[%min3A_216] : memref<100000xi32, #tpu.memory_space<hbm>> -> memref<128xi32, #tpu.memory_space<hbm>>
      tpu.wait_dma2 semaphore(%dma_wait3A_220 : memref<!tpu.dma_semaphore, #tpu.memory_space<semaphore_mem>>) src(%dma_wait3A_221 : memref<128xi32, #tpu.memory_space<hbm>>) dst(%arg9 : memref<128xi32, #tpu.memory_space<vmem>>)
      %gt3A_222 = arith.constant 0 : i32
      %gt3A_223 = arith.cmpi sgt, %scan3A_125, %gt3A_222 : i32
      %convert_element_type3A_224 = arith.extui %gt3A_223 : i1 to i32
      %cond3A_225 = arith.constant 0 : i32
      %cond3A_226 = arith.cmpi ne, %convert_element_type3A_224, %cond3A_225 : i32
      scf.if %cond3A_226 {
        %mul3A_404 = arith.constant 32 : i32
        %mul3A_405 = arith.muli %add3A_209, %mul3A_404 : i32
        %add3A_406 = arith.addi %mul3A_405, %add3A : i32
        %mul3A_407 = arith.constant 128 : i32
        %mul3A_408 = arith.muli %add3A_406, %mul3A_407 : i32
        %min3A_409 = arith.constant 99872 : i32
        %min3A_410 = arith.minsi %mul3A_408, %min3A_409 : i32
        %dma_wait3A_411 = arith.constant 3 : i32
        %dma_wait3A_412 = arith.constant 0 : i32
        %dma_wait3A_413 = tpu.memref_slice %arg4[%min3A_410, %dma_wait3A_412] : memref<100000x128xf32, #tpu.memory_space<hbm>> -> memref<128x128xf32, #tpu.memory_space<hbm>>
        %dma_wait3A_414 = tpu.memref_slice %arg17[%dma_wait3A_411] : memref<5x!tpu.dma_semaphore, #tpu.memory_space<semaphore_mem>> -> memref<1x!tpu.dma_semaphore, #tpu.memory_space<semaphore_mem>>
        %dma_wait3A_415 = tpu.memref_squeeze %dma_wait3A_414 : memref<1x!tpu.dma_semaphore, #tpu.memory_space<semaphore_mem>> -> memref<!tpu.dma_semaphore, #tpu.memory_space<semaphore_mem>>
        %dma_wait3A_416 = arith.constant 0 : i32
        %dma_wait3A_417 = tpu.memref_slice %arg4[%min3A_410, %dma_wait3A_416] : memref<100000x128xf32, #tpu.memory_space<hbm>> -> memref<128x128xf32, #tpu.memory_space<hbm>>
        tpu.wait_dma2 semaphore(%dma_wait3A_415 : memref<!tpu.dma_semaphore, #tpu.memory_space<semaphore_mem>>) src(%arg14 : memref<128x128xf32, #tpu.memory_space<vmem>>) dst(%dma_wait3A_417 : memref<128x128xf32, #tpu.memory_space<hbm>>)
      } else {
      }
      %dma_start3A_227 = arith.constant 3 : i32
      %dma_start3A_228 = arith.constant 0 : i32
      %dma_start3A_229 = arith.constant 0 : i32
      %dma_start3A_230 = tpu.memref_slice %arg5[%dma_start3A_228, %dma_start3A_229] : memref<101x128xf32, #tpu.memory_space<vmem_shared>> -> memref<101x128xf32, #tpu.memory_space<vmem_shared>>
      %dma_start3A_231 = tpu.memref_slice %arg18[%dma_start3A_227] : memref<5x!tpu.dma_semaphore, #tpu.memory_space<semaphore_mem>> -> memref<1x!tpu.dma_semaphore, #tpu.memory_space<semaphore_mem>>
      %dma_start3A_232 = tpu.memref_squeeze %dma_start3A_231 : memref<1x!tpu.dma_semaphore, #tpu.memory_space<semaphore_mem>> -> memref<!tpu.dma_semaphore, #tpu.memory_space<semaphore_mem>>
      tpu.enqueue_indirect_dma source(%dma_start3A_230 : memref<101x128xf32, #tpu.memory_space<vmem_shared>>) target(%arg14 : memref<128x128xf32, #tpu.memory_space<vmem>>) offsets(%arg9 : memref<128xi32, #tpu.memory_space<vmem>>) semaphore(%dma_start3A_232 : memref<!tpu.dma_semaphore, #tpu.memory_space<semaphore_mem>>)
      %mul3A_233 = arith.constant 5 : i32
      %mul3A_234 = arith.muli %scan3A_125, %mul3A_233 : i32
      %add3A_235 = arith.constant 4 : i32
      %add3A_236 = arith.addi %mul3A_234, %add3A_235 : i32
      %mul3A_237 = arith.constant 32 : i32
      %mul3A_238 = arith.muli %add3A_236, %mul3A_237 : i32
      %add3A_239 = arith.addi %mul3A_238, %add3A : i32
      %mul3A_240 = arith.constant 128 : i32
      %mul3A_241 = arith.muli %add3A_239, %mul3A_240 : i32
      %min3A_242 = arith.constant 99872 : i32
      %min3A_243 = arith.minsi %mul3A_241, %min3A_242 : i32
      %dma_wait3A_244 = arith.constant 4 : i32
      %dma_wait3A_245 = tpu.memref_slice %arg2[%min3A_243] : memref<100000xi32, #tpu.memory_space<hbm>> -> memref<128xi32, #tpu.memory_space<hbm>>
      %dma_wait3A_246 = tpu.memref_slice %arg16[%dma_wait3A_244] : memref<5x!tpu.dma_semaphore, #tpu.memory_space<semaphore_mem>> -> memref<1x!tpu.dma_semaphore, #tpu.memory_space<semaphore_mem>>
      %dma_wait3A_247 = tpu.memref_squeeze %dma_wait3A_246 : memref<1x!tpu.dma_semaphore, #tpu.memory_space<semaphore_mem>> -> memref<!tpu.dma_semaphore, #tpu.memory_space<semaphore_mem>>
      %dma_wait3A_248 = tpu.memref_slice %arg2[%min3A_243] : memref<100000xi32, #tpu.memory_space<hbm>> -> memref<128xi32, #tpu.memory_space<hbm>>
      tpu.wait_dma2 semaphore(%dma_wait3A_247 : memref<!tpu.dma_semaphore, #tpu.memory_space<semaphore_mem>>) src(%dma_wait3A_248 : memref<128xi32, #tpu.memory_space<hbm>>) dst(%arg10 : memref<128xi32, #tpu.memory_space<vmem>>)
      %gt3A_249 = arith.constant 0 : i32
      %gt3A_250 = arith.cmpi sgt, %scan3A_125, %gt3A_249 : i32
      %convert_element_type3A_251 = arith.extui %gt3A_250 : i1 to i32
      %cond3A_252 = arith.constant 0 : i32
      %cond3A_253 = arith.cmpi ne, %convert_element_type3A_251, %cond3A_252 : i32
      scf.if %cond3A_253 {
        %mul3A_404 = arith.constant 32 : i32
        %mul3A_405 = arith.muli %add3A_236, %mul3A_404 : i32
        %add3A_406 = arith.addi %mul3A_405, %add3A : i32
        %mul3A_407 = arith.constant 128 : i32
        %mul3A_408 = arith.muli %add3A_406, %mul3A_407 : i32
        %min3A_409 = arith.constant 99872 : i32
        %min3A_410 = arith.minsi %mul3A_408, %min3A_409 : i32
        %dma_wait3A_411 = arith.constant 4 : i32
        %dma_wait3A_412 = arith.constant 0 : i32
        %dma_wait3A_413 = tpu.memref_slice %arg4[%min3A_410, %dma_wait3A_412] : memref<100000x128xf32, #tpu.memory_space<hbm>> -> memref<128x128xf32, #tpu.memory_space<hbm>>
        %dma_wait3A_414 = tpu.memref_slice %arg17[%dma_wait3A_411] : memref<5x!tpu.dma_semaphore, #tpu.memory_space<semaphore_mem>> -> memref<1x!tpu.dma_semaphore, #tpu.memory_space<semaphore_mem>>
        %dma_wait3A_415 = tpu.memref_squeeze %dma_wait3A_414 : memref<1x!tpu.dma_semaphore, #tpu.memory_space<semaphore_mem>> -> memref<!tpu.dma_semaphore, #tpu.memory_space<semaphore_mem>>
        %dma_wait3A_416 = arith.constant 0 : i32
        %dma_wait3A_417 = tpu.memref_slice %arg4[%min3A_410, %dma_wait3A_416] : memref<100000x128xf32, #tpu.memory_space<hbm>> -> memref<128x128xf32, #tpu.memory_space<hbm>>
        tpu.wait_dma2 semaphore(%dma_wait3A_415 : memref<!tpu.dma_semaphore, #tpu.memory_space<semaphore_mem>>) src(%arg15 : memref<128x128xf32, #tpu.memory_space<vmem>>) dst(%dma_wait3A_417 : memref<128x128xf32, #tpu.memory_space<hbm>>)
      } else {
      }
      %dma_start3A_254 = arith.constant 4 : i32
      %dma_start3A_255 = arith.constant 0 : i32
      %dma_start3A_256 = arith.constant 0 : i32
      %dma_start3A_257 = tpu.memref_slice %arg5[%dma_start3A_255, %dma_start3A_256] : memref<101x128xf32, #tpu.memory_space<vmem_shared>> -> memref<101x128xf32, #tpu.memory_space<vmem_shared>>
      %dma_start3A_258 = tpu.memref_slice %arg18[%dma_start3A_254] : memref<5x!tpu.dma_semaphore, #tpu.memory_space<semaphore_mem>> -> memref<1x!tpu.dma_semaphore, #tpu.memory_space<semaphore_mem>>
      %dma_start3A_259 = tpu.memref_squeeze %dma_start3A_258 : memref<1x!tpu.dma_semaphore, #tpu.memory_space<semaphore_mem>> -> memref<!tpu.dma_semaphore, #tpu.memory_space<semaphore_mem>>
      tpu.enqueue_indirect_dma source(%dma_start3A_257 : memref<101x128xf32, #tpu.memory_space<vmem_shared>>) target(%arg15 : memref<128x128xf32, #tpu.memory_space<vmem>>) offsets(%arg10 : memref<128xi32, #tpu.memory_space<vmem>>) semaphore(%dma_start3A_259 : memref<!tpu.dma_semaphore, #tpu.memory_space<semaphore_mem>>)
      %mul3A_260 = arith.constant 5 : i32
      %mul3A_261 = arith.muli %scan3A_125, %mul3A_260 : i32
      %add3A_262 = arith.constant 0 : i32
      %add3A_263 = arith.addi %mul3A_261, %add3A_262 : i32
      %dma_wait3A_264 = arith.constant 0 : i32
      %dma_wait3A_265 = arith.constant 0 : i32
      %dma_wait3A_266 = arith.constant 0 : i32
      %dma_wait3A_267 = tpu.memref_slice %arg5[%dma_wait3A_265, %dma_wait3A_266] : memref<101x128xf32, #tpu.memory_space<vmem_shared>> -> memref<101x128xf32, #tpu.memory_space<vmem_shared>>
      %dma_wait3A_268 = tpu.memref_slice %arg18[%dma_wait3A_264] : memref<5x!tpu.dma_semaphore, #tpu.memory_space<semaphore_mem>> -> memref<1x!tpu.dma_semaphore, #tpu.memory_space<semaphore_mem>>
      %dma_wait3A_269 = tpu.memref_squeeze %dma_wait3A_268 : memref<1x!tpu.dma_semaphore, #tpu.memory_space<semaphore_mem>> -> memref<!tpu.dma_semaphore, #tpu.memory_space<semaphore_mem>>
      tpu.wait_indirect_dma semaphore(%dma_wait3A_269 : memref<!tpu.dma_semaphore, #tpu.memory_space<semaphore_mem>>) src(%dma_wait3A_267 : memref<101x128xf32, #tpu.memory_space<vmem_shared>>) dst(%arg11 : memref<128x128xf32, #tpu.memory_space<vmem>>)
      %mul3A_270 = arith.constant 32 : i32
      %mul3A_271 = arith.muli %add3A_263, %mul3A_270 : i32
      %add3A_272 = arith.addi %mul3A_271, %add3A : i32
      %mul3A_273 = arith.constant 128 : i32
      %mul3A_274 = arith.muli %add3A_272, %mul3A_273 : i32
      %min3A_275 = arith.constant 99872 : i32
      %min3A_276 = arith.minsi %mul3A_274, %min3A_275 : i32
      %dma_start3A_277 = arith.constant 0 : i32
      %dma_start3A_278 = arith.constant 0 : i32
      %dma_start3A_279 = tpu.memref_slice %arg4[%min3A_276, %dma_start3A_278] : memref<100000x128xf32, #tpu.memory_space<hbm>> -> memref<128x128xf32, #tpu.memory_space<hbm>>
      %dma_start3A_280 = tpu.memref_slice %arg17[%dma_start3A_277] : memref<5x!tpu.dma_semaphore, #tpu.memory_space<semaphore_mem>> -> memref<1x!tpu.dma_semaphore, #tpu.memory_space<semaphore_mem>>
      %dma_start3A_281 = tpu.memref_squeeze %dma_start3A_280 : memref<1x!tpu.dma_semaphore, #tpu.memory_space<semaphore_mem>> -> memref<!tpu.dma_semaphore, #tpu.memory_space<semaphore_mem>>
      %dma_start3A_282 = arith.constant 0 : i32
      %dma_start3A_283 = tpu.memref_slice %arg4[%min3A_276, %dma_start3A_282] : memref<100000x128xf32, #tpu.memory_space<hbm>> -> memref<128x128xf32, #tpu.memory_space<hbm>>
      tpu.enqueue_dma source(%arg11 : memref<128x128xf32, #tpu.memory_space<vmem>>) target(%dma_start3A_283 : memref<128x128xf32, #tpu.memory_space<hbm>>) target_semaphore(%dma_start3A_281 : memref<!tpu.dma_semaphore, #tpu.memory_space<semaphore_mem>>)
      %lt3A = arith.constant 4 : i32
      %lt3A_284 = arith.cmpi slt, %scan3A_125, %lt3A : i32
      %convert_element_type3A_285 = arith.extui %lt3A_284 : i1 to i32
      %cond3A_286 = arith.constant 0 : i32
      %cond3A_287 = arith.cmpi ne, %convert_element_type3A_285, %cond3A_286 : i32
      scf.if %cond3A_287 {
        %add3A_404 = arith.constant 5 : i32
        %add3A_405 = arith.addi %add3A_263, %add3A_404 : i32
        %mul3A_406 = arith.constant 32 : i32
        %mul3A_407 = arith.muli %add3A_405, %mul3A_406 : i32
        %add3A_408 = arith.addi %mul3A_407, %add3A : i32
        %mul3A_409 = arith.constant 128 : i32
        %mul3A_410 = arith.muli %add3A_408, %mul3A_409 : i32
        %min3A_411 = arith.constant 99872 : i32
        %min3A_412 = arith.minsi %mul3A_410, %min3A_411 : i32
        %dma_start3A_413 = arith.constant 0 : i32
        %dma_start3A_414 = tpu.memref_slice %arg2[%min3A_412] : memref<100000xi32, #tpu.memory_space<hbm>> -> memref<128xi32, #tpu.memory_space<hbm>>
        %dma_start3A_415 = tpu.memref_slice %arg16[%dma_start3A_413] : memref<5x!tpu.dma_semaphore, #tpu.memory_space<semaphore_mem>> -> memref<1x!tpu.dma_semaphore, #tpu.memory_space<semaphore_mem>>
        %dma_start3A_416 = tpu.memref_squeeze %dma_start3A_415 : memref<1x!tpu.dma_semaphore, #tpu.memory_space<semaphore_mem>> -> memref<!tpu.dma_semaphore, #tpu.memory_space<semaphore_mem>>
        %dma_start3A_417 = tpu.memref_slice %arg2[%min3A_412] : memref<100000xi32, #tpu.memory_space<hbm>> -> memref<128xi32, #tpu.memory_space<hbm>>
        tpu.enqueue_dma source(%dma_start3A_417 : memref<128xi32, #tpu.memory_space<hbm>>) target(%arg6 : memref<128xi32, #tpu.memory_space<vmem>>) target_semaphore(%dma_start3A_416 : memref<!tpu.dma_semaphore, #tpu.memory_space<semaphore_mem>>)
      } else {
      }
      %mul3A_288 = arith.constant 5 : i32
      %mul3A_289 = arith.muli %scan3A_125, %mul3A_288 : i32
      %add3A_290 = arith.constant 1 : i32
      %add3A_291 = arith.addi %mul3A_289, %add3A_290 : i32
      %dma_wait3A_292 = arith.constant 1 : i32
      %dma_wait3A_293 = arith.constant 0 : i32
      %dma_wait3A_294 = arith.constant 0 : i32
      %dma_wait3A_295 = tpu.memref_slice %arg5[%dma_wait3A_293, %dma_wait3A_294] : memref<101x128xf32, #tpu.memory_space<vmem_shared>> -> memref<101x128xf32, #tpu.memory_space<vmem_shared>>
      %dma_wait3A_296 = tpu.memref_slice %arg18[%dma_wait3A_292] : memref<5x!tpu.dma_semaphore, #tpu.memory_space<semaphore_mem>> -> memref<1x!tpu.dma_semaphore, #tpu.memory_space<semaphore_mem>>
      %dma_wait3A_297 = tpu.memref_squeeze %dma_wait3A_296 : memref<1x!tpu.dma_semaphore, #tpu.memory_space<semaphore_mem>> -> memref<!tpu.dma_semaphore, #tpu.memory_space<semaphore_mem>>
      tpu.wait_indirect_dma semaphore(%dma_wait3A_297 : memref<!tpu.dma_semaphore, #tpu.memory_space<semaphore_mem>>) src(%dma_wait3A_295 : memref<101x128xf32, #tpu.memory_space<vmem_shared>>) dst(%arg12 : memref<128x128xf32, #tpu.memory_space<vmem>>)
      %mul3A_298 = arith.constant 32 : i32
      %mul3A_299 = arith.muli %add3A_291, %mul3A_298 : i32
      %add3A_300 = arith.addi %mul3A_299, %add3A : i32
      %mul3A_301 = arith.constant 128 : i32
      %mul3A_302 = arith.muli %add3A_300, %mul3A_301 : i32
      %min3A_303 = arith.constant 99872 : i32
      %min3A_304 = arith.minsi %mul3A_302, %min3A_303 : i32
      %dma_start3A_305 = arith.constant 1 : i32
      %dma_start3A_306 = arith.constant 0 : i32
      %dma_start3A_307 = tpu.memref_slice %arg4[%min3A_304, %dma_start3A_306] : memref<100000x128xf32, #tpu.memory_space<hbm>> -> memref<128x128xf32, #tpu.memory_space<hbm>>
      %dma_start3A_308 = tpu.memref_slice %arg17[%dma_start3A_305] : memref<5x!tpu.dma_semaphore, #tpu.memory_space<semaphore_mem>> -> memref<1x!tpu.dma_semaphore, #tpu.memory_space<semaphore_mem>>
      %dma_start3A_309 = tpu.memref_squeeze %dma_start3A_308 : memref<1x!tpu.dma_semaphore, #tpu.memory_space<semaphore_mem>> -> memref<!tpu.dma_semaphore, #tpu.memory_space<semaphore_mem>>
      %dma_start3A_310 = arith.constant 0 : i32
      %dma_start3A_311 = tpu.memref_slice %arg4[%min3A_304, %dma_start3A_310] : memref<100000x128xf32, #tpu.memory_space<hbm>> -> memref<128x128xf32, #tpu.memory_space<hbm>>
      tpu.enqueue_dma source(%arg12 : memref<128x128xf32, #tpu.memory_space<vmem>>) target(%dma_start3A_311 : memref<128x128xf32, #tpu.memory_space<hbm>>) target_semaphore(%dma_start3A_309 : memref<!tpu.dma_semaphore, #tpu.memory_space<semaphore_mem>>)
      %lt3A_312 = arith.constant 4 : i32
      %lt3A_313 = arith.cmpi slt, %scan3A_125, %lt3A_312 : i32
      %convert_element_type3A_314 = arith.extui %lt3A_313 : i1 to i32
      %cond3A_315 = arith.constant 0 : i32
      %cond3A_316 = arith.cmpi ne, %convert_element_type3A_314, %cond3A_315 : i32
      scf.if %cond3A_316 {
        %add3A_404 = arith.constant 5 : i32
        %add3A_405 = arith.addi %add3A_291, %add3A_404 : i32
        %mul3A_406 = arith.constant 32 : i32
        %mul3A_407 = arith.muli %add3A_405, %mul3A_406 : i32
        %add3A_408 = arith.addi %mul3A_407, %add3A : i32
        %mul3A_409 = arith.constant 128 : i32
        %mul3A_410 = arith.muli %add3A_408, %mul3A_409 : i32
        %min3A_411 = arith.constant 99872 : i32
        %min3A_412 = arith.minsi %mul3A_410, %min3A_411 : i32
        %dma_start3A_413 = arith.constant 1 : i32
        %dma_start3A_414 = tpu.memref_slice %arg2[%min3A_412] : memref<100000xi32, #tpu.memory_space<hbm>> -> memref<128xi32, #tpu.memory_space<hbm>>
        %dma_start3A_415 = tpu.memref_slice %arg16[%dma_start3A_413] : memref<5x!tpu.dma_semaphore, #tpu.memory_space<semaphore_mem>> -> memref<1x!tpu.dma_semaphore, #tpu.memory_space<semaphore_mem>>
        %dma_start3A_416 = tpu.memref_squeeze %dma_start3A_415 : memref<1x!tpu.dma_semaphore, #tpu.memory_space<semaphore_mem>> -> memref<!tpu.dma_semaphore, #tpu.memory_space<semaphore_mem>>
        %dma_start3A_417 = tpu.memref_slice %arg2[%min3A_412] : memref<100000xi32, #tpu.memory_space<hbm>> -> memref<128xi32, #tpu.memory_space<hbm>>
        tpu.enqueue_dma source(%dma_start3A_417 : memref<128xi32, #tpu.memory_space<hbm>>) target(%arg7 : memref<128xi32, #tpu.memory_space<vmem>>) target_semaphore(%dma_start3A_416 : memref<!tpu.dma_semaphore, #tpu.memory_space<semaphore_mem>>)
      } else {
      }
      %mul3A_317 = arith.constant 5 : i32
      %mul3A_318 = arith.muli %scan3A_125, %mul3A_317 : i32
      %add3A_319 = arith.constant 2 : i32
      %add3A_320 = arith.addi %mul3A_318, %add3A_319 : i32
      %dma_wait3A_321 = arith.constant 2 : i32
      %dma_wait3A_322 = arith.constant 0 : i32
      %dma_wait3A_323 = arith.constant 0 : i32
      %dma_wait3A_324 = tpu.memref_slice %arg5[%dma_wait3A_322, %dma_wait3A_323] : memref<101x128xf32, #tpu.memory_space<vmem_shared>> -> memref<101x128xf32, #tpu.memory_space<vmem_shared>>
      %dma_wait3A_325 = tpu.memref_slice %arg18[%dma_wait3A_321] : memref<5x!tpu.dma_semaphore, #tpu.memory_space<semaphore_mem>> -> memref<1x!tpu.dma_semaphore, #tpu.memory_space<semaphore_mem>>
      %dma_wait3A_326 = tpu.memref_squeeze %dma_wait3A_325 : memref<1x!tpu.dma_semaphore, #tpu.memory_space<semaphore_mem>> -> memref<!tpu.dma_semaphore, #tpu.memory_space<semaphore_mem>>
      tpu.wait_indirect_dma semaphore(%dma_wait3A_326 : memref<!tpu.dma_semaphore, #tpu.memory_space<semaphore_mem>>) src(%dma_wait3A_324 : memref<101x128xf32, #tpu.memory_space<vmem_shared>>) dst(%arg13 : memref<128x128xf32, #tpu.memory_space<vmem>>)
      %mul3A_327 = arith.constant 32 : i32
      %mul3A_328 = arith.muli %add3A_320, %mul3A_327 : i32
      %add3A_329 = arith.addi %mul3A_328, %add3A : i32
      %mul3A_330 = arith.constant 128 : i32
      %mul3A_331 = arith.muli %add3A_329, %mul3A_330 : i32
      %min3A_332 = arith.constant 99872 : i32
      %min3A_333 = arith.minsi %mul3A_331, %min3A_332 : i32
      %dma_start3A_334 = arith.constant 2 : i32
      %dma_start3A_335 = arith.constant 0 : i32
      %dma_start3A_336 = tpu.memref_slice %arg4[%min3A_333, %dma_start3A_335] : memref<100000x128xf32, #tpu.memory_space<hbm>> -> memref<128x128xf32, #tpu.memory_space<hbm>>
      %dma_start3A_337 = tpu.memref_slice %arg17[%dma_start3A_334] : memref<5x!tpu.dma_semaphore, #tpu.memory_space<semaphore_mem>> -> memref<1x!tpu.dma_semaphore, #tpu.memory_space<semaphore_mem>>
      %dma_start3A_338 = tpu.memref_squeeze %dma_start3A_337 : memref<1x!tpu.dma_semaphore, #tpu.memory_space<semaphore_mem>> -> memref<!tpu.dma_semaphore, #tpu.memory_space<semaphore_mem>>
      %dma_start3A_339 = arith.constant 0 : i32
      %dma_start3A_340 = tpu.memref_slice %arg4[%min3A_333, %dma_start3A_339] : memref<100000x128xf32, #tpu.memory_space<hbm>> -> memref<128x128xf32, #tpu.memory_space<hbm>>
      tpu.enqueue_dma source(%arg13 : memref<128x128xf32, #tpu.memory_space<vmem>>) target(%dma_start3A_340 : memref<128x128xf32, #tpu.memory_space<hbm>>) target_semaphore(%dma_start3A_338 : memref<!tpu.dma_semaphore, #tpu.memory_space<semaphore_mem>>)
      %lt3A_341 = arith.constant 4 : i32
      %lt3A_342 = arith.cmpi slt, %scan3A_125, %lt3A_341 : i32
      %convert_element_type3A_343 = arith.extui %lt3A_342 : i1 to i32
      %cond3A_344 = arith.constant 0 : i32
      %cond3A_345 = arith.cmpi ne, %convert_element_type3A_343, %cond3A_344 : i32
      scf.if %cond3A_345 {
        %add3A_404 = arith.constant 5 : i32
        %add3A_405 = arith.addi %add3A_320, %add3A_404 : i32
        %mul3A_406 = arith.constant 32 : i32
        %mul3A_407 = arith.muli %add3A_405, %mul3A_406 : i32
        %add3A_408 = arith.addi %mul3A_407, %add3A : i32
        %mul3A_409 = arith.constant 128 : i32
        %mul3A_410 = arith.muli %add3A_408, %mul3A_409 : i32
        %min3A_411 = arith.constant 99872 : i32
        %min3A_412 = arith.minsi %mul3A_410, %min3A_411 : i32
        %dma_start3A_413 = arith.constant 2 : i32
        %dma_start3A_414 = tpu.memref_slice %arg2[%min3A_412] : memref<100000xi32, #tpu.memory_space<hbm>> -> memref<128xi32, #tpu.memory_space<hbm>>
        %dma_start3A_415 = tpu.memref_slice %arg16[%dma_start3A_413] : memref<5x!tpu.dma_semaphore, #tpu.memory_space<semaphore_mem>> -> memref<1x!tpu.dma_semaphore, #tpu.memory_space<semaphore_mem>>
        %dma_start3A_416 = tpu.memref_squeeze %dma_start3A_415 : memref<1x!tpu.dma_semaphore, #tpu.memory_space<semaphore_mem>> -> memref<!tpu.dma_semaphore, #tpu.memory_space<semaphore_mem>>
        %dma_start3A_417 = tpu.memref_slice %arg2[%min3A_412] : memref<100000xi32, #tpu.memory_space<hbm>> -> memref<128xi32, #tpu.memory_space<hbm>>
        tpu.enqueue_dma source(%dma_start3A_417 : memref<128xi32, #tpu.memory_space<hbm>>) target(%arg8 : memref<128xi32, #tpu.memory_space<vmem>>) target_semaphore(%dma_start3A_416 : memref<!tpu.dma_semaphore, #tpu.memory_space<semaphore_mem>>)
      } else {
      }
      %mul3A_346 = arith.constant 5 : i32
      %mul3A_347 = arith.muli %scan3A_125, %mul3A_346 : i32
      %add3A_348 = arith.constant 3 : i32
      %add3A_349 = arith.addi %mul3A_347, %add3A_348 : i32
      %dma_wait3A_350 = arith.constant 3 : i32
      %dma_wait3A_351 = arith.constant 0 : i32
      %dma_wait3A_352 = arith.constant 0 : i32
      %dma_wait3A_353 = tpu.memref_slice %arg5[%dma_wait3A_351, %dma_wait3A_352] : memref<101x128xf32, #tpu.memory_space<vmem_shared>> -> memref<101x128xf32, #tpu.memory_space<vmem_shared>>
      %dma_wait3A_354 = tpu.memref_slice %arg18[%dma_wait3A_350] : memref<5x!tpu.dma_semaphore, #tpu.memory_space<semaphore_mem>> -> memref<1x!tpu.dma_semaphore, #tpu.memory_space<semaphore_mem>>
      %dma_wait3A_355 = tpu.memref_squeeze %dma_wait3A_354 : memref<1x!tpu.dma_semaphore, #tpu.memory_space<semaphore_mem>> -> memref<!tpu.dma_semaphore, #tpu.memory_space<semaphore_mem>>
      tpu.wait_indirect_dma semaphore(%dma_wait3A_355 : memref<!tpu.dma_semaphore, #tpu.memory_space<semaphore_mem>>) src(%dma_wait3A_353 : memref<101x128xf32, #tpu.memory_space<vmem_shared>>) dst(%arg14 : memref<128x128xf32, #tpu.memory_space<vmem>>)
      %mul3A_356 = arith.constant 32 : i32
      %mul3A_357 = arith.muli %add3A_349, %mul3A_356 : i32
      %add3A_358 = arith.addi %mul3A_357, %add3A : i32
      %mul3A_359 = arith.constant 128 : i32
      %mul3A_360 = arith.muli %add3A_358, %mul3A_359 : i32
      %min3A_361 = arith.constant 99872 : i32
      %min3A_362 = arith.minsi %mul3A_360, %min3A_361 : i32
      %dma_start3A_363 = arith.constant 3 : i32
      %dma_start3A_364 = arith.constant 0 : i32
      %dma_start3A_365 = tpu.memref_slice %arg4[%min3A_362, %dma_start3A_364] : memref<100000x128xf32, #tpu.memory_space<hbm>> -> memref<128x128xf32, #tpu.memory_space<hbm>>
      %dma_start3A_366 = tpu.memref_slice %arg17[%dma_start3A_363] : memref<5x!tpu.dma_semaphore, #tpu.memory_space<semaphore_mem>> -> memref<1x!tpu.dma_semaphore, #tpu.memory_space<semaphore_mem>>
      %dma_start3A_367 = tpu.memref_squeeze %dma_start3A_366 : memref<1x!tpu.dma_semaphore, #tpu.memory_space<semaphore_mem>> -> memref<!tpu.dma_semaphore, #tpu.memory_space<semaphore_mem>>
      %dma_start3A_368 = arith.constant 0 : i32
      %dma_start3A_369 = tpu.memref_slice %arg4[%min3A_362, %dma_start3A_368] : memref<100000x128xf32, #tpu.memory_space<hbm>> -> memref<128x128xf32, #tpu.memory_space<hbm>>
      tpu.enqueue_dma source(%arg14 : memref<128x128xf32, #tpu.memory_space<vmem>>) target(%dma_start3A_369 : memref<128x128xf32, #tpu.memory_space<hbm>>) target_semaphore(%dma_start3A_367 : memref<!tpu.dma_semaphore, #tpu.memory_space<semaphore_mem>>)
      %lt3A_370 = arith.constant 4 : i32
      %lt3A_371 = arith.cmpi slt, %scan3A_125, %lt3A_370 : i32
      %convert_element_type3A_372 = arith.extui %lt3A_371 : i1 to i32
      %cond3A_373 = arith.constant 0 : i32
      %cond3A_374 = arith.cmpi ne, %convert_element_type3A_372, %cond3A_373 : i32
      scf.if %cond3A_374 {
        %add3A_404 = arith.constant 5 : i32
        %add3A_405 = arith.addi %add3A_349, %add3A_404 : i32
        %mul3A_406 = arith.constant 32 : i32
        %mul3A_407 = arith.muli %add3A_405, %mul3A_406 : i32
        %add3A_408 = arith.addi %mul3A_407, %add3A : i32
        %mul3A_409 = arith.constant 128 : i32
        %mul3A_410 = arith.muli %add3A_408, %mul3A_409 : i32
        %min3A_411 = arith.constant 99872 : i32
        %min3A_412 = arith.minsi %mul3A_410, %min3A_411 : i32
        %dma_start3A_413 = arith.constant 3 : i32
        %dma_start3A_414 = tpu.memref_slice %arg2[%min3A_412] : memref<100000xi32, #tpu.memory_space<hbm>> -> memref<128xi32, #tpu.memory_space<hbm>>
        %dma_start3A_415 = tpu.memref_slice %arg16[%dma_start3A_413] : memref<5x!tpu.dma_semaphore, #tpu.memory_space<semaphore_mem>> -> memref<1x!tpu.dma_semaphore, #tpu.memory_space<semaphore_mem>>
        %dma_start3A_416 = tpu.memref_squeeze %dma_start3A_415 : memref<1x!tpu.dma_semaphore, #tpu.memory_space<semaphore_mem>> -> memref<!tpu.dma_semaphore, #tpu.memory_space<semaphore_mem>>
        %dma_start3A_417 = tpu.memref_slice %arg2[%min3A_412] : memref<100000xi32, #tpu.memory_space<hbm>> -> memref<128xi32, #tpu.memory_space<hbm>>
        tpu.enqueue_dma source(%dma_start3A_417 : memref<128xi32, #tpu.memory_space<hbm>>) target(%arg9 : memref<128xi32, #tpu.memory_space<vmem>>) target_semaphore(%dma_start3A_416 : memref<!tpu.dma_semaphore, #tpu.memory_space<semaphore_mem>>)
      } else {
      }
      %mul3A_375 = arith.constant 5 : i32
      %mul3A_376 = arith.muli %scan3A_125, %mul3A_375 : i32
      %add3A_377 = arith.constant 4 : i32
      %add3A_378 = arith.addi %mul3A_376, %add3A_377 : i32
      %dma_wait3A_379 = arith.constant 4 : i32
      %dma_wait3A_380 = arith.constant 0 : i32
      %dma_wait3A_381 = arith.constant 0 : i32
      %dma_wait3A_382 = tpu.memref_slice %arg5[%dma_wait3A_380, %dma_wait3A_381] : memref<101x128xf32, #tpu.memory_space<vmem_shared>> -> memref<101x128xf32, #tpu.memory_space<vmem_shared>>
      %dma_wait3A_383 = tpu.memref_slice %arg18[%dma_wait3A_379] : memref<5x!tpu.dma_semaphore, #tpu.memory_space<semaphore_mem>> -> memref<1x!tpu.dma_semaphore, #tpu.memory_space<semaphore_mem>>
      %dma_wait3A_384 = tpu.memref_squeeze %dma_wait3A_383 : memref<1x!tpu.dma_semaphore, #tpu.memory_space<semaphore_mem>> -> memref<!tpu.dma_semaphore, #tpu.memory_space<semaphore_mem>>
      tpu.wait_indirect_dma semaphore(%dma_wait3A_384 : memref<!tpu.dma_semaphore, #tpu.memory_space<semaphore_mem>>) src(%dma_wait3A_382 : memref<101x128xf32, #tpu.memory_space<vmem_shared>>) dst(%arg15 : memref<128x128xf32, #tpu.memory_space<vmem>>)
      %mul3A_385 = arith.constant 32 : i32
      %mul3A_386 = arith.muli %add3A_378, %mul3A_385 : i32
      %add3A_387 = arith.addi %mul3A_386, %add3A : i32
      %mul3A_388 = arith.constant 128 : i32
      %mul3A_389 = arith.muli %add3A_387, %mul3A_388 : i32
      %min3A_390 = arith.constant 99872 : i32
      %min3A_391 = arith.minsi %mul3A_389, %min3A_390 : i32
      %dma_start3A_392 = arith.constant 4 : i32
      %dma_start3A_393 = arith.constant 0 : i32
      %dma_start3A_394 = tpu.memref_slice %arg4[%min3A_391, %dma_start3A_393] : memref<100000x128xf32, #tpu.memory_space<hbm>> -> memref<128x128xf32, #tpu.memory_space<hbm>>
      %dma_start3A_395 = tpu.memref_slice %arg17[%dma_start3A_392] : memref<5x!tpu.dma_semaphore, #tpu.memory_space<semaphore_mem>> -> memref<1x!tpu.dma_semaphore, #tpu.memory_space<semaphore_mem>>
      %dma_start3A_396 = tpu.memref_squeeze %dma_start3A_395 : memref<1x!tpu.dma_semaphore, #tpu.memory_space<semaphore_mem>> -> memref<!tpu.dma_semaphore, #tpu.memory_space<semaphore_mem>>
      %dma_start3A_397 = arith.constant 0 : i32
      %dma_start3A_398 = tpu.memref_slice %arg4[%min3A_391, %dma_start3A_397] : memref<100000x128xf32, #tpu.memory_space<hbm>> -> memref<128x128xf32, #tpu.memory_space<hbm>>
      tpu.enqueue_dma source(%arg15 : memref<128x128xf32, #tpu.memory_space<vmem>>) target(%dma_start3A_398 : memref<128x128xf32, #tpu.memory_space<hbm>>) target_semaphore(%dma_start3A_396 : memref<!tpu.dma_semaphore, #tpu.memory_space<semaphore_mem>>)
      %lt3A_399 = arith.constant 4 : i32
      %lt3A_400 = arith.cmpi slt, %scan3A_125, %lt3A_399 : i32
      %convert_element_type3A_401 = arith.extui %lt3A_400 : i1 to i32
      %cond3A_402 = arith.constant 0 : i32
      %cond3A_403 = arith.cmpi ne, %convert_element_type3A_401, %cond3A_402 : i32
      scf.if %cond3A_403 {
        %add3A_404 = arith.constant 5 : i32
        %add3A_405 = arith.addi %add3A_378, %add3A_404 : i32
        %mul3A_406 = arith.constant 32 : i32
        %mul3A_407 = arith.muli %add3A_405, %mul3A_406 : i32
        %add3A_408 = arith.addi %mul3A_407, %add3A : i32
        %mul3A_409 = arith.constant 128 : i32
        %mul3A_410 = arith.muli %add3A_408, %mul3A_409 : i32
        %min3A_411 = arith.constant 99872 : i32
        %min3A_412 = arith.minsi %mul3A_410, %min3A_411 : i32
        %dma_start3A_413 = arith.constant 4 : i32
        %dma_start3A_414 = tpu.memref_slice %arg2[%min3A_412] : memref<100000xi32, #tpu.memory_space<hbm>> -> memref<128xi32, #tpu.memory_space<hbm>>
        %dma_start3A_415 = tpu.memref_slice %arg16[%dma_start3A_413] : memref<5x!tpu.dma_semaphore, #tpu.memory_space<semaphore_mem>> -> memref<1x!tpu.dma_semaphore, #tpu.memory_space<semaphore_mem>>
        %dma_start3A_416 = tpu.memref_squeeze %dma_start3A_415 : memref<1x!tpu.dma_semaphore, #tpu.memory_space<semaphore_mem>> -> memref<!tpu.dma_semaphore, #tpu.memory_space<semaphore_mem>>
        %dma_start3A_417 = tpu.memref_slice %arg2[%min3A_412] : memref<100000xi32, #tpu.memory_space<hbm>> -> memref<128xi32, #tpu.memory_space<hbm>>
        tpu.enqueue_dma source(%dma_start3A_417 : memref<128xi32, #tpu.memory_space<hbm>>) target(%arg10 : memref<128xi32, #tpu.memory_space<vmem>>) target_semaphore(%dma_start3A_416 : memref<!tpu.dma_semaphore, #tpu.memory_space<semaphore_mem>>)
      } else {
      }
    }
    %scan3A_60 = arith.constant 5 : i32
    %add3A_61 = arith.constant 640 : i32
    %add3A_62 = arith.addi %add3A_61, %add3A : i32
    %mul3A_63 = arith.constant 128 : i32
    %mul3A_64 = arith.muli %add3A_62, %mul3A_63 : i32
    %min3A_65 = arith.constant 99872 : i32
    %min3A_66 = arith.minsi %mul3A_64, %min3A_65 : i32
    %dma_wait3A = arith.constant 0 : i32
    %dma_wait3A_67 = arith.constant 0 : i32
    %dma_wait3A_68 = tpu.memref_slice %arg4[%min3A_66, %dma_wait3A_67] : memref<100000x128xf32, #tpu.memory_space<hbm>> -> memref<128x128xf32, #tpu.memory_space<hbm>>
    %dma_wait3A_69 = tpu.memref_slice %arg17[%dma_wait3A] : memref<5x!tpu.dma_semaphore, #tpu.memory_space<semaphore_mem>> -> memref<1x!tpu.dma_semaphore, #tpu.memory_space<semaphore_mem>>
    %dma_wait3A_70 = tpu.memref_squeeze %dma_wait3A_69 : memref<1x!tpu.dma_semaphore, #tpu.memory_space<semaphore_mem>> -> memref<!tpu.dma_semaphore, #tpu.memory_space<semaphore_mem>>
    %dma_wait3A_71 = arith.constant 0 : i32
    %dma_wait3A_72 = tpu.memref_slice %arg4[%min3A_66, %dma_wait3A_71] : memref<100000x128xf32, #tpu.memory_space<hbm>> -> memref<128x128xf32, #tpu.memory_space<hbm>>
    tpu.wait_dma2 semaphore(%dma_wait3A_70 : memref<!tpu.dma_semaphore, #tpu.memory_space<semaphore_mem>>) src(%arg11 : memref<128x128xf32, #tpu.memory_space<vmem>>) dst(%dma_wait3A_72 : memref<128x128xf32, #tpu.memory_space<hbm>>)
    %add3A_73 = arith.constant 672 : i32
    %add3A_74 = arith.addi %add3A_73, %add3A : i32
    %mul3A_75 = arith.constant 128 : i32
    %mul3A_76 = arith.muli %add3A_74, %mul3A_75 : i32
    %min3A_77 = arith.constant 99872 : i32
    %min3A_78 = arith.minsi %mul3A_76, %min3A_77 : i32
    %dma_wait3A_79 = arith.constant 1 : i32
    %dma_wait3A_80 = arith.constant 0 : i32
    %dma_wait3A_81 = tpu.memref_slice %arg4[%min3A_78, %dma_wait3A_80] : memref<100000x128xf32, #tpu.memory_space<hbm>> -> memref<128x128xf32, #tpu.memory_space<hbm>>
    %dma_wait3A_82 = tpu.memref_slice %arg17[%dma_wait3A_79] : memref<5x!tpu.dma_semaphore, #tpu.memory_space<semaphore_mem>> -> memref<1x!tpu.dma_semaphore, #tpu.memory_space<semaphore_mem>>
    %dma_wait3A_83 = tpu.memref_squeeze %dma_wait3A_82 : memref<1x!tpu.dma_semaphore, #tpu.memory_space<semaphore_mem>> -> memref<!tpu.dma_semaphore, #tpu.memory_space<semaphore_mem>>
    %dma_wait3A_84 = arith.constant 0 : i32
    %dma_wait3A_85 = tpu.memref_slice %arg4[%min3A_78, %dma_wait3A_84] : memref<100000x128xf32, #tpu.memory_space<hbm>> -> memref<128x128xf32, #tpu.memory_space<hbm>>
    tpu.wait_dma2 semaphore(%dma_wait3A_83 : memref<!tpu.dma_semaphore, #tpu.memory_space<semaphore_mem>>) src(%arg12 : memref<128x128xf32, #tpu.memory_space<vmem>>) dst(%dma_wait3A_85 : memref<128x128xf32, #tpu.memory_space<hbm>>)
    %add3A_86 = arith.constant 704 : i32
    %add3A_87 = arith.addi %add3A_86, %add3A : i32
    %mul3A_88 = arith.constant 128 : i32
    %mul3A_89 = arith.muli %add3A_87, %mul3A_88 : i32
    %min3A_90 = arith.constant 99872 : i32
    %min3A_91 = arith.minsi %mul3A_89, %min3A_90 : i32
    %dma_wait3A_92 = arith.constant 2 : i32
    %dma_wait3A_93 = arith.constant 0 : i32
    %dma_wait3A_94 = tpu.memref_slice %arg4[%min3A_91, %dma_wait3A_93] : memref<100000x128xf32, #tpu.memory_space<hbm>> -> memref<128x128xf32, #tpu.memory_space<hbm>>
    %dma_wait3A_95 = tpu.memref_slice %arg17[%dma_wait3A_92] : memref<5x!tpu.dma_semaphore, #tpu.memory_space<semaphore_mem>> -> memref<1x!tpu.dma_semaphore, #tpu.memory_space<semaphore_mem>>
    %dma_wait3A_96 = tpu.memref_squeeze %dma_wait3A_95 : memref<1x!tpu.dma_semaphore, #tpu.memory_space<semaphore_mem>> -> memref<!tpu.dma_semaphore, #tpu.memory_space<semaphore_mem>>
    %dma_wait3A_97 = arith.constant 0 : i32
    %dma_wait3A_98 = tpu.memref_slice %arg4[%min3A_91, %dma_wait3A_97] : memref<100000x128xf32, #tpu.memory_space<hbm>> -> memref<128x128xf32, #tpu.memory_space<hbm>>
    tpu.wait_dma2 semaphore(%dma_wait3A_96 : memref<!tpu.dma_semaphore, #tpu.memory_space<semaphore_mem>>) src(%arg13 : memref<128x128xf32, #tpu.memory_space<vmem>>) dst(%dma_wait3A_98 : memref<128x128xf32, #tpu.memory_space<hbm>>)
    %add3A_99 = arith.constant 736 : i32
    %add3A_100 = arith.addi %add3A_99, %add3A : i32
    %mul3A_101 = arith.constant 128 : i32
    %mul3A_102 = arith.muli %add3A_100, %mul3A_101 : i32
    %min3A_103 = arith.constant 99872 : i32
    %min3A_104 = arith.minsi %mul3A_102, %min3A_103 : i32
    %dma_wait3A_105 = arith.constant 3 : i32
    %dma_wait3A_106 = arith.constant 0 : i32
    %dma_wait3A_107 = tpu.memref_slice %arg4[%min3A_104, %dma_wait3A_106] : memref<100000x128xf32, #tpu.memory_space<hbm>> -> memref<128x128xf32, #tpu.memory_space<hbm>>
    %dma_wait3A_108 = tpu.memref_slice %arg17[%dma_wait3A_105] : memref<5x!tpu.dma_semaphore, #tpu.memory_space<semaphore_mem>> -> memref<1x!tpu.dma_semaphore, #tpu.memory_space<semaphore_mem>>
    %dma_wait3A_109 = tpu.memref_squeeze %dma_wait3A_108 : memref<1x!tpu.dma_semaphore, #tpu.memory_space<semaphore_mem>> -> memref<!tpu.dma_semaphore, #tpu.memory_space<semaphore_mem>>
    %dma_wait3A_110 = arith.constant 0 : i32
    %dma_wait3A_111 = tpu.memref_slice %arg4[%min3A_104, %dma_wait3A_110] : memref<100000x128xf32, #tpu.memory_space<hbm>> -> memref<128x128xf32, #tpu.memory_space<hbm>>
    tpu.wait_dma2 semaphore(%dma_wait3A_109 : memref<!tpu.dma_semaphore, #tpu.memory_space<semaphore_mem>>) src(%arg14 : memref<128x128xf32, #tpu.memory_space<vmem>>) dst(%dma_wait3A_111 : memref<128x128xf32, #tpu.memory_space<hbm>>)
    %add3A_112 = arith.constant 768 : i32
    %add3A_113 = arith.addi %add3A_112, %add3A : i32
    %mul3A_114 = arith.constant 128 : i32
    %mul3A_115 = arith.muli %add3A_113, %mul3A_114 : i32
    %min3A_116 = arith.constant 99872 : i32
    %min3A_117 = arith.minsi %mul3A_115, %min3A_116 : i32
    %dma_wait3A_118 = arith.constant 4 : i32
    %dma_wait3A_119 = arith.constant 0 : i32
    %dma_wait3A_120 = tpu.memref_slice %arg4[%min3A_117, %dma_wait3A_119] : memref<100000x128xf32, #tpu.memory_space<hbm>> -> memref<128x128xf32, #tpu.memory_space<hbm>>
    %dma_wait3A_121 = tpu.memref_slice %arg17[%dma_wait3A_118] : memref<5x!tpu.dma_semaphore, #tpu.memory_space<semaphore_mem>> -> memref<1x!tpu.dma_semaphore, #tpu.memory_space<semaphore_mem>>
    %dma_wait3A_122 = tpu.memref_squeeze %dma_wait3A_121 : memref<1x!tpu.dma_semaphore, #tpu.memory_space<semaphore_mem>> -> memref<!tpu.dma_semaphore, #tpu.memory_space<semaphore_mem>>
    %dma_wait3A_123 = arith.constant 0 : i32
    %dma_wait3A_124 = tpu.memref_slice %arg4[%min3A_117, %dma_wait3A_123] : memref<100000x128xf32, #tpu.memory_space<hbm>> -> memref<128x128xf32, #tpu.memory_space<hbm>>
    tpu.wait_dma2 semaphore(%dma_wait3A_122 : memref<!tpu.dma_semaphore, #tpu.memory_space<semaphore_mem>>) src(%arg15 : memref<128x128xf32, #tpu.memory_space<vmem>>) dst(%dma_wait3A_124 : memref<128x128xf32, #tpu.memory_space<hbm>>)
    return
  }
}

</mosaic_0001>

<sc_bundles>
// kernel: kernel.3.cloned.1.call-start
scs
__scs_entry_jumppad:
0x0: {  	(pc) =	sbr.rel $0x88, $3  }
0x1: {  	(tag) =	ssettag $0x0;
	lr =	simm.s32 $0x1  }
0x2: {  	[smem:$0x3F9F] =	sst lr;
	_ =	strace $0xD0000000  }
0x3: {  	_ = 	snop  }
0x4: {  	_ = 	snop  }
0x5: {  	_ = 	snop  }
0x6: {  	_ = 	snop  }
0x7: {  	_ = 	snop  }
__scs_overlays_trampoline_lowered:
0x8: {  	[smem:$0x3FAE] =	sst s0  }
0x9: {  	[smem:$0x3FAF] =	sst s1  }
0xa: {  	[smem:$0x3FB0] =	sst s2  }
0xb: {  	[smem:$0x3FB1] =	sst s3  }
0xc: {  	[smem:$0x3FB2] =	sst s4  }
0xd: {  	[smem:$0x3FB3] =	sst s5  }
0xe: {  	[smem:$0x3FB4] =	sst s6  }
0xf: {  	[smem:$0x3FB5] =	sst s7  }
0x10: {  	[smem:$0x3FB6] =	sst s8  }
0x11: {  	[smem:$0x3FB7] =	sst s9;
	s0 =	simm.s32 @!p0 $0x0  }
0x12: {  	s1 =	sld [smem:$0x3F9D];
	s0 =	simm.s32 @p0 $0x1  }
0x13: {  	[smem:$0x3FB8] =	sst s0;
	s0 =	simm.s32 @!p1 $0x0  }
0x14: {  	s2 =	sld [smem:$0x3F9C];
	s0 =	simm.s32 @p1 $0x1  }
0x15: {  	[smem:$0x3FB9] =	sst s0;
	s0 =	simm.s32 @!p2 $0x0  }
0x16: {  	s3 =	sld [smem:$0x3FDB];
	s0 =	simm.s32 @p2 $0x1  }
0x17: {  	s4 =	simm.s32 $0x1BF5;
	[smem:$0x3FBB] =	sst s0  }
0x18: {  	s0 =	sld [smem:$0x3F9E];
	_ =	swait.ge [sflag:s4], $0x0  }
0x19: {  	s7 =	sld [smem:$0x3F9F]  }
0x1a: {  	s8 =	sadd.s32 $0xFFFFE003, lr  }
0x1b: {  	s9 =	sadd.s32 $0xFFFFFEF7, lr;
	s5 =	simm.s32 $0xFFFFFFFF;
	p2 =	slt.u32 s8, $0xFFFFF086  }
0x1c: {  	p1 =	slt.u32 s9, $0xF7A;
	s5 =	simm.s32 @!p2 $0x0  }
0x1d: {  	s5 =	simm.s32 @p1 $0x1;
	p0 =	seq.s32 s7, s2  }
0x1e: {  	s7 =	smul.u32 @!p0 $0xF7A, s2;
	p2 =	seq.s32 @!p0 s5, $0x0  }
0x1f: {  	s9 =	smul.u32 $0xF7A, s1;
	s8 =	simm.s32 @!p0 $0x1BF5;
	p2 =	por !p2, p0  }
0x20: {  	[sflag:s8] =	ssyncset.s32 @!p0 $0xFFFFF086;
	s6 =	sadd.s32 @!p0 s3, s7;
	s7 =	simm.s32 @!p0 $0x108  }
0x21: {  	s3 =	sadd.s32 s3, s9;
	s6 =	sadd.s32 @!p0 $0x88, s6;
	s7 =	simm.s32 @p2 $0x1082  }
0x22: {  	[simem:s7], [sflag:s8] =	dma.local @!p0 [hbm:s6], $0xF7A  }
0x23: {  	s9 =	sor.u32 $0xD0000000, s2;
	s6 =	simm.s32 $0x108;
	_ =	swait.ge @!p0 [sflag:s8], $0x0  }
0x24: {  	s3 =	sadd.s32 $0x88, s3;
	s6 =	simm.s32 @!p1 $0x1082;
	[sflag:s4] =	ssyncset.s32 $0xFFFFF086  }
0x25: {  	[simem:s6], [sflag:s4] =	dma.local [hbm:s3], $0xF7A  }
0x26: {  	[smem:$0x3F9F] =	sst s1;
	(tag) =	ssettag s2;
	_ =	strace s9  }
0x27: {  	s1 =	sld [smem:$0x3FAF]  }
0x28: {  	s2 =	sld [smem:$0x3FB0]  }
0x29: {  	s4 =	sld [smem:$0x3FB2]  }
0x2a: {  	p0 =	seq.s32 s5, $0x0;
	s5 =	sld [smem:$0x3FB3]  }
0x2b: {  	s6 =	sld [smem:$0x3FB4]  }
0x2c: {  	s7 =	sld [smem:$0x3FB5]  }
0x2d: {  	s3 =	simm.s32 $0x108;
	s8 =	sld [smem:$0x3FB6]  }
0x2e: {  	s3 =	simm.s32 @!p0 $0x1082;
	s9 =	sld [smem:$0x3FB7]  }
0x2f: {  	lr =	sadd.s32 s0, s3;
	s0 =	sld [smem:$0x3FAE]  }
0x30: {  	s3 =	sld [smem:$0x3FB1]  }
0x31: {  	[smem:$0x3FBA] =	sst s10  }
0x32: {  	s10 =	sld [smem:$0x3FB8];
	_ =	sdelay $0x3  }
0x33: {  	p0 =	seq.s32 s10, $0x1;
	s10 =	sld [smem:$0x3FBA];
	_ =	sdelay $0x3  }
0x34: {  	[smem:$0x3FBA] =	sst s10  }
0x35: {  	s10 =	sld [smem:$0x3FB9];
	_ =	sdelay $0x3  }
0x36: {  	p1 =	seq.s32 s10, $0x1;
	s10 =	sld [smem:$0x3FBA];
	_ =	sdelay $0x3  }
0x37: {  	[smem:$0x3FBA] =	sst s10  }
0x38: {  	s10 =	sld [smem:$0x3FBB]  }
0x39: {  	_ = 	snop;
	(pc) =	sbr.ind lr, $3  }
0x3a: {  	_ = 	snop  }
0x3b: {  	_ = 	snop  }
0x3c: {  	p2 =	seq.s32 s10, $0x1;
	s10 =	sld [smem:$0x3FBA]  }
0x3d: {  	_ =	shalt  }
0x3e: {  	_ =	shalt  }
0x3f: {  	_ =	shalt  }
0x40: {  	_ =	shalt  }
0x41: {  	_ =	shalt  }
0x42: {  	_ =	shalt  }
0x43: {  	_ =	shalt  }
0x44: {  	_ =	shalt  }
0x45: {  	_ =	shalt  }
0x46: {  	_ =	shalt  }
0x47: {  	_ =	shalt  }
0x48: {  	_ =	shalt  }
0x49: {  	_ =	shalt  }
0x4a: {  	_ =	shalt  }
0x4b: {  	_ =	shalt  }
0x4c: {  	_ =	shalt  }
0x4d: {  	_ =	shalt  }
0x4e: {  	_ =	shalt  }
0x4f: {  	_ =	shalt  }
0x50: {  	_ =	shalt  }
0x51: {  	_ =	shalt  }
0x52: {  	_ =	shalt  }
0x53: {  	_ =	shalt  }
0x54: {  	_ =	shalt  }
0x55: {  	_ =	shalt  }
0x56: {  	_ =	shalt  }
0x57: {  	_ =	shalt  }
0x58: {  	_ =	shalt  }
0x59: {  	_ =	shalt  }
0x5a: {  	_ =	shalt  }
0x5b: {  	_ =	shalt  }
0x5c: {  	_ =	shalt  }
0x5d: {  	_ =	shalt  }
0x5e: {  	_ =	shalt  }
0x5f: {  	_ =	shalt  }
0x60: {  	_ =	shalt  }
0x61: {  	_ =	shalt  }
0x62: {  	_ =	shalt  }
0x63: {  	_ =	shalt  }
0x64: {  	_ =	shalt  }
0x65: {  	_ =	shalt  }
0x66: {  	_ =	shalt  }
0x67: {  	_ =	shalt  }
0x68: {  	_ =	shalt  }
0x69: {  	_ =	shalt  }
0x6a: {  	_ =	shalt  }
0x6b: {  	_ =	shalt  }
0x6c: {  	_ =	shalt  }
0x6d: {  	_ =	shalt  }
0x6e: {  	_ =	shalt  }
0x6f: {  	_ =	shalt  }
0x70: {  	_ =	shalt  }
0x71: {  	_ =	shalt  }
0x72: {  	_ =	shalt  }
0x73: {  	_ =	shalt  }
0x74: {  	_ =	shalt  }
0x75: {  	_ =	shalt  }
0x76: {  	_ =	shalt  }
0x77: {  	_ =	shalt  }
0x78: {  	_ =	shalt  }
0x79: {  	_ =	shalt  }
0x7a: {  	_ =	shalt  }
0x7b: {  	_ =	shalt  }
0x7c: {  	_ =	shalt  }
0x7d: {  	_ =	shalt  }
0x7e: {  	_ =	shalt  }
0x7f: {  	_ =	shalt  }
0x80: {  	_ =	shalt  }
0x81: {  	_ =	shalt  }
0x82: {  	_ =	shalt  }
0x83: {  	_ =	shalt  }
0x84: {  	_ =	shalt  }
0x85: {  	_ =	shalt  }
0x86: {  	_ =	shalt  }
0x87: {  	_ =	shalt  }
.Lfunc_end0:
.L_simem_size_0:
called_computation_lowered:
.L_overlay_start_0:
0x88: {  	s2 =	sld [smem:$0x3FD9]  }
0x89: {  	s3 =	sld [smem:$0x3FFE];
	_ =	sdelay $0x1  }
0x8a: {  	s1 =	srdreg.scid  }
0x8b: {  	s0 =	sand.u32 $0x1, s1  }
0x8c: {  	s18 =	sshll.u32 s0, $0xA;
	s2 =	sadd.s32 s3, s2  }
0x8d: {  	s2 =	sadd.s32 s2, s18  }
0x8e: {  	[smem:$0x3FC6] =	sst s2  }
0x8f: {  	_ = 	snop  }
0x90: {  	s2 =	sld [smem:$0x3FC9]  }
0x91: {  	s19 =	sld [smem:$0x3FC8]  }
0x92: {  	s4 =	sld [smem:$0x3FD0];
	(tm) =	ssettm $0x1  }
0x93: {  	s5 =	sld [smem:$0x3FFB];
	_ =	sdelay $0x3  }
0x94: {  	_ =	strace s5  }
0x95: {  	s5 =	sld [smem:$0x3FFC];
	_ =	sdelay $0x3  }
0x96: {  	_ =	strace s5  }
0x97: {  	s5 =	sld [smem:$0x3FFD];
	_ =	sdelay $0x3  }
0x98: {  	_ =	strace s5  }
0x99: {  	_ =	strace $0x8FFFFFFF  }
0x9a: {  	s20 =	sld [smem:$0x3FDB];
	_ =	sdelay $0x1  }
0x9b: {  	s6 =	simm.s32 $_scs_section_size  }
0x9c: {  	s7 =	simm.s32 $_size__tile_overlayer_lowered;
	s8 =	simm.s32 $_tile_overlayer_lowered  }
0x9d: {  	s23 =	simm.s32 $0x1BFF;
	s22 =	sshll.u32 s8, $0x1;
	s5 =	sadd.s32 s6, s20  }
0x9e: {  	s9 =	simm.s32 $0x0;
	s21 =	sshll.u32 s7, $0x1;
	s7 =	sadd.s32 s22, s5  }
0x9f: {  	[timem:s9], [sflag:s23] =	dma.local [hbm:s7], s21  }
0xa0: {  	_ =	swait.ge [sflag:s23], s21  }
0xa1: {  	s6 =	ssub.s32 $0x0, s21;
	[sflag:s23] =	ssyncset.done $0x0  }
0xa2: {  	[sflag:s23] =	ssyncadd.s32 s6;
	_ =	sdelay $0x1  }
0xa3: {  	s24 =	simm.s32 $0x1B8B  }
0xa4: {  	_ =	swait.ge [sflag:s24], $0x1  }
0xa5: {  	[sflag:s24] =	ssyncset.done $0x0  }
0xa6: {  	s25 =	simm.s32 $0x1B8E;
	[sflag:s24] =	ssyncadd.s32 $0xFFFFFFFF  }
0xa7: {  	s26 =	simm.s32 $execute0_lowered;
	[smem:$0x3FD2] =	sst s25  }
0xa8: {  	s6 =	sshll.u32 s26, $0x1;
	_ =	strace $0x80000046;
	[dreg:$0x1] =	wrdreg $0xFFFFFFFF  }
0xa9: {  	s28 =	simm.s32 $_size_execute0_lowered;
	s5 =	sadd.s32 s5, s6;
	[dreg:$0x0] =	wrdreg $0x0  }
0xaa: {  	s6 =	sshll.u32 s28, $0x1;
	[dreg:$0x2] =	wrdreg s5  }
0xab: {  	[dreg:$0x3] =	wrdreg s6  }
0xac: {  	[dreg:$0x4] =	wrdreg $0xC0  }
0xad: {  	_ =	task [dreg:s9], $0x5FFFF  }
0xae: {  	[dreg:$0x1] =	wrdreg $0xFFFFFFFF  }
0xaf: {  	[dreg:$0x0] =	wrdreg $0x60  }
0xb0: {  	[dreg:$0x2] =	wrdreg s2  }
0xb1: {  	[dreg:$0x3] =	wrdreg s19  }
0xb2: {  	[dreg:$0x4] =	wrdreg s4  }
0xb3: {  	[dreg:$0x5] =	wrdreg $0x0  }
0xb4: {  	[dreg:$0x6] =	wrdreg $0x9  }
0xb5: {  	_ =	task.clear_ibuf [dreg:s9], $0x7FFFF;
	_ =	strace $0x90000046  }
0xb6: {  	s29 =	simm.s32 $0x9;
	_ =	strace $0x80000048  }
0xb7: {  	_ =	swait.ge [sflag:s29], $0x1  }
0xb8: {  	[sflag:s29] =	ssyncadd.s32 $0xFFFFFFFF  }
0xb9: {  	_ =	strace $0x90000048  }
0xba: {  	_ =	sfence  }
0xbb: {  	s30 =	sld [smem:$0x0];
	_ =	sdelay $0x2  }
0xbc: {  	s31 =	sshll.u32 s1, $0xD;
	s1 =	sshrl.u32 s1, $0x2  }
0xbd: {  	s3 =	sand.u32 $0x4000, s31;
	s1 =	sadd.s32 s1, s30  }
0xbe: {  	s0 =	sor.u32 s3, s0;
	s1 =	sshll.u32 s1, $0x11  }
0xbf: {  	s0 =	sor.u32 s1, s0  }
0xc0: {  	s0 =	sadd.s32 $0x8F2B, s0  }
0xc1: {  	[sflag:s0] =	ssyncadd.remote.s32 $0x1  }
0xc2: {  	_ =	sfence.sel $0xFFFF  }
0xc3: {  	[dreg:$0x0] =	wrdreg $0xFFFFFFFF;
	(pc) =	sbr.abs _section_cstart, $3  }
0xc4: {  	[dreg:$0x1] =	wrdreg $0xFFFFFFFF  }
0xc5: {  	_ =	task.clear_ibuf [dreg:s9], $0x2FFFF;
	_ =	strace $0x9FFFFFFF  }
0xc6: {  	(tm) =	ssettm $0x7FFFFFFF  }
0xc7: {  	_ =	shalt  }
tec
execute0_lowered:
.L_overlay_start_1:
0x0: {  	(tag) =	ssettag $0x1  }
0x1: {  	s1 =	rddreg [dreg:$0x0]  }
0x2: {  	s3 =	rddreg [dreg:$0x2]  }
0x3: {  	s4 =	rddreg [dreg:$0x3];
	s0 =	srdreg.scid;
	s5 =	simm.s32 $0x0  }
0x4: {  	s2 =	stileid.u32;
	s14 =	simm.s32 $0x328;
	s15 =	simm.s32 $0x3A8  }
0x5: {  	s16 =	simm.s32 $0x428;
	s17 =	simm.s32 $0x4A8;
	s18 =	simm.s32 $0x528  }
0x6: {  	s20 =	simm.s32 $0x1;
	s28 =	simm.s32 $0x4;
	s29 =	simm.s32 $0xC5A8  }
0x7: {  	s30 =	simm.s32 $0x5;
	s31 =	simm.s32 $0x105A8;
	s0 =	sand.u32 $0x1, s0  }
0x8: {  	s7 =	sshll.u32 s2, $0x5;
	[smem:$0x7FF] =	sst s5;
	s22 =	sshll.u32 s2, $0xC  }
0x9: {  	s25 =	sshll.u32 s2, $0x8;
	p0 =	sne.s32 s2, $0x0;
	s2 =	simm.s32 $0xD  }
0xa: {  	s6 =	ssub.s32 $0x2, s0;
	s8 =	sshll.u32 s0, $0x4;
	_ =	strace $0x80000047  }
0xb: {  	s24 =	sshll.u32 s0, $0xB;
	s0 =	sshll.u32 s0, $0x7;
	s9 =	sshrl.u32 s6, $0x1  }
0xc: {  	s7 =	sor.u32 s8, s7;
	s13 =	sor.u32 s0, s25;
	s0 =	sshrl.u32 @!p0 s4, $0x3  }
0xd: {  	s25 =	simm.s32 $0x3;
	s8 =	sadd.s32 s1, s7;
	[dreg:$0xc] =	wrdreg s0  }
0xe: {  	s6 =	ssub.s32 s6, s9;
	s7 =	sadd.s32 $0x200, s8;
	[dreg:$0x5] =	wrdreg s8  }
0xf: {  	s0 =	simm.s32 $0xB;
	s21 =	sadd.s32 $0x400, s8;
	[dreg:$0x6] =	wrdreg s7  }
0x10: {  	s9 =	simm.s32 $0x0;
	s23 =	sadd.s32 $0x600, s8;
	[dreg:$0x7] =	wrdreg s21  }
.Ltmp0:
0x11: {  	s8 =	sadd.s32 $0x800, s8;
	[dreg:$0x8] =	wrdreg s23;
	(pc) =	sbr.rel .LBB2_1-.Ltmp0, $4  }
0x12: {  	s6 =	smax.u32 s6, $0x1;
	[dreg:$0x9] =	wrdreg s8;
	s7 =	sadd.s32 s22, s3  }
0x13: {  	[dreg:$0xa] =	wrdreg s6;
	s21 =	simm.s32 $0x80;
	s22 =	simm.s32 $0x5A8  }
0x14: {  	s23 =	simm.s32 $0x2;
	s26 =	sadd.s32 s24, s7;
	s24 =	simm.s32 $0x45A8  }
0x15: {  	s7 =	simm.s32 $0xF;
	[dreg:$0xb] =	wrdreg s26;
	s26 =	simm.s32 $0x85A8  }
.LBB2_4:
0x16: {  	s6 =	simm.s32 $0x6  }
0x17: {  	_ =	swait.ge [sflag:s6], $0x4000  }
0x18: {  	[sflag:s6] =	ssyncset.done $0x0  }
0x19: {  	s10 =	simm.s32 $0x7;
	[sflag:s6] =	ssyncadd.s32 $0xFFFFC000  }
0x1a: {  	_ =	swait.ge [sflag:s10], $0x4000  }
0x1b: {  	[sflag:s10] =	ssyncset.done $0x0  }
0x1c: {  	s11 =	simm.s32 $0x8;
	[sflag:s10] =	ssyncadd.s32 $0xFFFFC000  }
0x1d: {  	_ =	swait.ge [sflag:s11], $0x4000  }
0x1e: {  	[sflag:s11] =	ssyncset.done $0x0  }
0x1f: {  	s12 =	simm.s32 $0x9;
	[sflag:s11] =	ssyncadd.s32 $0xFFFFC000  }
0x20: {  	_ =	swait.ge [sflag:s12], $0x4000  }
0x21: {  	[sflag:s12] =	ssyncset.done $0x0  }
0x22: {  	s8 =	simm.s32 $0xA;
	[sflag:s12] =	ssyncadd.s32 $0xFFFFC000  }
0x23: {  	_ =	swait.ge [sflag:s8], $0x4000  }
0x24: {  	s9 =	rddreg [dreg:$0xd]  }
0x25: {  	s19 =	rddreg [dreg:$0xa];
	s9 =	sadd.s32 $0x1, s9  }
0x26: {  	p1 =	sne.s32 s9, s19  }
.Ltmp1:
0x27: {  	_ = 	snop;
	(pc) =	sbr.rel @!p1 .LBB2_5-.Ltmp1, $3  }
0x28: {  	_ =	sdelay $0x1  }
0x29: {  	[sflag:s8] =	ssyncset.done $0x0  }
0x2a: {  	[sflag:s8] =	ssyncadd.s32 $0xFFFFC000  }
.LBB2_1:
0x2b: {  	[dreg:$0xd] =	wrdreg s9  }
0x2c: {  	s6 =	rddreg [dreg:$0x5]  }
0x2d: {  	s10 =	rddreg [dreg:$0x6]  }
0x2e: {  	s11 =	rddreg [dreg:$0x7]  }
0x2f: {  	[tilespmem:s14], [sflag:$0x1] =	stream.linear.gather [hbm4b:s6+s5], $0x80, $0x38;
	[tilespmem:$0x145A8] =	vst v63  }
0x30: {  	s12 =	rddreg [dreg:$0x8]  }
0x31: {  	[tilespmem:s15], [sflag:$0x2] =	stream.linear.gather [hbm4b:s10+s5], $0x80, $0x38;
	[tilespmem:$0x145A8] =	vst v63  }
0x32: {  	s19 =	rddreg [dreg:$0x9]  }
0x33: {  	[tilespmem:s16], [sflag:$0x3] =	stream.linear.gather [hbm4b:s11+s5], $0x80, $0x38;
	[tilespmem:$0x145A8] =	vst v63  }
0x34: {  	s8 =	rddreg [dreg:$0x1]  }
0x35: {  	[tilespmem:s17], [sflag:$0x4] =	stream.linear.gather [hbm4b:s12+s5], $0x80, $0x38;
	[tilespmem:$0x145A8] =	vst v63  }
0x36: {  	s9 =	rddreg [dreg:$0xc];
	s6 =	simm.s32 @!p0 $0x1C10  }
0x37: {  	[tilespmem:s18], [sflag:$0x5] =	stream.linear.gather [hbm4b:s19+s5], $0x80, $0x38;
	[tilespmem:$0x145A8] =	vst v63  }
0x38: {  	[spmem:s9], [sflag:s6] =	dma.local @!p0 [hbm:s8], $0x650  }
0x39: {  	s6 =	simm.s32 @!p0 $0x10  }
0x3a: {  	_ =	swait.ge @!p0 [sflag:s6], $0x650  }
0x3b: {  	[sflag:s6] =	ssyncset.done @!p0 $0x0  }
0x3c: {  	[sflag:s6] =	ssyncadd.s32 @!p0 $0xFFFFF9B0  }
0x3d: {  	[bflag:$0x0] =	sbarrier.arrive $0xFFFF  }
0x3e: {  	s8 =	simm.s32 $0x0;
	s6 =	rddreg [dreg:$0xb]  }
.LBB2_2:
0x3f: {  	_ =	swait.ge [sflag:s20], $0x80  }
0x40: {  	p1 =	seq.s32 s8, $0x0;
	[sflag:s20] =	ssyncset.done $0x0  }
0x41: {  	s9 =	simm.s32 @!p1 $0x6;
	[sflag:s20] =	ssyncadd.s32 $0xFFFFFF80  }
0x42: {  	_ =	swait.ge @!p1 [sflag:s9], $0x4000  }
0x43: {  	[sflag:s9] =	ssyncset.done @!p1 $0x0  }
0x44: {  	[sflag:s9] =	ssyncadd.s32 @!p1 $0xFFFFC000  }
0x45: {  	[tilespmem:s22], [sflag:$0xB] =	stream.indirect.gather [spmem:s4], $0x80, s14, s21, $0xb8;
	[tilespmem:$0x145A8] =	vst v63  }
0x46: {  	_ =	swait.ge [sflag:s23], $0x80  }
0x47: {  	[sflag:s23] =	ssyncset.done $0x0  }
0x48: {  	s9 =	simm.s32 @!p1 $0x7;
	[sflag:s23] =	ssyncadd.s32 $0xFFFFFF80  }
0x49: {  	_ =	swait.ge @!p1 [sflag:s9], $0x4000  }
0x4a: {  	[sflag:s9] =	ssyncset.done @!p1 $0x0  }
0x4b: {  	[sflag:s9] =	ssyncadd.s32 @!p1 $0xFFFFC000  }
0x4c: {  	[tilespmem:s24], [sflag:$0xC] =	stream.indirect.gather [spmem:s4], $0x80, s15, s21, $0xb8;
	[tilespmem:$0x145A8] =	vst v63  }
0x4d: {  	_ =	swait.ge [sflag:s25], $0x80  }
0x4e: {  	[sflag:s25] =	ssyncset.done $0x0  }
0x4f: {  	s9 =	simm.s32 @!p1 $0x8;
	[sflag:s25] =	ssyncadd.s32 $0xFFFFFF80  }
0x50: {  	_ =	swait.ge @!p1 [sflag:s9], $0x4000  }
0x51: {  	[sflag:s9] =	ssyncset.done @!p1 $0x0  }
0x52: {  	[sflag:s9] =	ssyncadd.s32 @!p1 $0xFFFFC000  }
0x53: {  	[tilespmem:s26], [sflag:$0xD] =	stream.indirect.gather [spmem:s4], $0x80, s16, s21, $0xb8;
	[tilespmem:$0x145A8] =	vst v63  }
0x54: {  	_ =	swait.ge [sflag:s28], $0x80  }
0x55: {  	[sflag:s28] =	ssyncset.done $0x0  }
0x56: {  	s9 =	simm.s32 @!p1 $0x9;
	[sflag:s28] =	ssyncadd.s32 $0xFFFFFF80  }
0x57: {  	_ =	swait.ge @!p1 [sflag:s9], $0x4000  }
0x58: {  	[sflag:s9] =	ssyncset.done @!p1 $0x0  }
0x59: {  	[sflag:s9] =	ssyncadd.s32 @!p1 $0xFFFFC000  }
0x5a: {  	[tilespmem:s29], [sflag:$0xE] =	stream.indirect.gather [spmem:s4], $0x80, s17, s21, $0xb8;
	[tilespmem:$0x145A8] =	vst v63  }
0x5b: {  	_ =	swait.ge [sflag:s30], $0x80  }
0x5c: {  	[sflag:s30] =	ssyncset.done $0x0  }
0x5d: {  	s9 =	simm.s32 @!p1 $0xA;
	[sflag:s30] =	ssyncadd.s32 $0xFFFFFF80  }
0x5e: {  	_ =	swait.ge @!p1 [sflag:s9], $0x4000  }
0x5f: {  	[sflag:s9] =	ssyncset.done @!p1 $0x0  }
0x60: {  	[sflag:s9] =	ssyncadd.s32 @!p1 $0xFFFFC000  }
0x61: {  	[tilespmem:s31], [sflag:$0xF] =	stream.indirect.gather [spmem:s4], $0x80, s18, s21, $0xb8;
	[tilespmem:$0x145A8] =	vst v63  }
0x62: {  	_ =	swait.ge [sflag:s0], $0x4000  }
0x63: {  	p1 =	seq.s32 s8, $0x14000;
	[sflag:s0] =	ssyncset.done $0x0  }
0x64: {  	s9 =	simm.s32 @p1 $0xC;
	[sflag:s0] =	ssyncadd.s32 $0xFFFFC000  }
0x65: {  	[hbm4b:s6+s5] =	stream.linear.scatter [tilespmem:s22], [sflag:$0x6], $0x4000, $0x38;
	[tilespmem:$0x145A8] =	vst v63  }
0x66: {  	_ =	swait.ge @p1 [sflag:s9], $0x4000  }
0x67: {  	s10 =	simm.s32 @p1 $0x0;
	[sflag:s9] =	ssyncset.done @p1 $0x0  }
0x68: {  	s11 =	simm.s32 @p1 $0x45A8;
	[sflag:s9] =	ssyncadd.s32 @p1 $0xFFFFC000;
	s9 =	sadd.s32 @p1 $0x10000, s6  }
0x69: {  	[hbm4b:s9+s10] =	stream.linear.scatter @p1 [tilespmem:s11], [sflag:$0x7], $0x4000, $0x38;
	[tilespmem:$0x145A8] =	vst v63  }
0x6a: {  	s9 =	sadd.s32 @!p1 s8, s13  }
0x6b: {  	s11 =	sadd.s32 @!p1 $0x5000, s9  }
0x6c: {  	p2 =	slt.s32 @!p1 s11, $0x18620  }
0x6d: {  	p2 =	por !p2, p1  }
0x6e: {  	s11 =	simm.s32 @p2 $0x18620  }
0x6f: {  	s11 =	sshrl.u32 @!p1 s11, $0x3  }
0x70: {  	s12 =	simm.s32 @!p1 $0x0;
	s19 =	simm.s32 @!p1 $0x328;
	s11 =	sadd.s32 @!p1 s1, s11  }
0x71: {  	[tilespmem:s19], [sflag:$0x1] =	stream.linear.gather @!p1 [hbm4b:s11+s12], $0x80, $0x38;
	[tilespmem:$0x145A8] =	vst v63  }
0x72: {  	s11 =	simm.s32 @!p1 $0xC  }
0x73: {  	_ =	swait.ge @!p1 [sflag:s11], $0x4000  }
0x74: {  	[sflag:s11] =	ssyncset.done @!p1 $0x0  }
0x75: {  	s19 =	simm.s32 @!p1 $0x45A8;
	[sflag:s11] =	ssyncadd.s32 @!p1 $0xFFFFC000;
	s11 =	sadd.s32 @!p1 $0x10000, s6  }
0x76: {  	[hbm4b:s11+s12] =	stream.linear.scatter @!p1 [tilespmem:s19], [sflag:$0x7], $0x4000, $0x38;
	[tilespmem:$0x145A8] =	vst v63  }
0x77: {  	s11 =	sadd.s32 @!p1 $0x6000, s9  }
0x78: {  	p2 =	slt.s32 @!p1 s11, $0x18620  }
0x79: {  	p2 =	por !p2, p1  }
0x7a: {  	s11 =	simm.s32 @p2 $0x18620  }
0x7b: {  	s11 =	sshrl.u32 @!p1 s11, $0x3  }
0x7c: {  	s19 =	simm.s32 @!p1 $0x3A8;
	s11 =	sadd.s32 @!p1 s1, s11  }
0x7d: {  	[tilespmem:s19], [sflag:$0x2] =	stream.linear.gather @!p1 [hbm4b:s11+s12], $0x80, $0x38;
	[tilespmem:$0x145A8] =	vst v63  }
0x7e: {  	_ =	swait.ge [sflag:s2], $0x4000  }
0x7f: {  	[sflag:s2] =	ssyncset.done $0x0  }
0x80: {  	s19 =	sadd.s32 $0x20000, s6;
	s11 =	simm.s32 @p1 $0xE;
	[sflag:s2] =	ssyncadd.s32 $0xFFFFC000  }
0x81: {  	[hbm4b:s19+s5] =	stream.linear.scatter [tilespmem:s26], [sflag:$0x8], $0x4000, $0x38;
	[tilespmem:$0x145A8] =	vst v63  }
0x82: {  	_ =	swait.ge @p1 [sflag:s11], $0x4000  }
0x83: {  	[sflag:s11] =	ssyncset.done @p1 $0x0  }
0x84: {  	s19 =	simm.s32 @p1 $0xC5A8;
	[sflag:s11] =	ssyncadd.s32 @p1 $0xFFFFC000;
	s11 =	sadd.s32 @p1 $0x30000, s6  }
0x85: {  	[hbm4b:s11+s10] =	stream.linear.scatter @p1 [tilespmem:s19], [sflag:$0x9], $0x4000, $0x38;
	[tilespmem:$0x145A8] =	vst v63  }
0x86: {  	s10 =	sadd.s32 @!p1 $0x7000, s9  }
0x87: {  	p2 =	slt.s32 @!p1 s10, $0x18620  }
0x88: {  	p2 =	por !p2, p1  }
0x89: {  	s10 =	simm.s32 @p2 $0x18620  }
0x8a: {  	s10 =	sshrl.u32 @!p1 s10, $0x3  }
0x8b: {  	s11 =	simm.s32 @!p1 $0x428;
	s9 =	sadd.s32 @!p1 $0x8000, s9;
	s10 =	sadd.s32 @!p1 s1, s10  }
0x8c: {  	[tilespmem:s11], [sflag:$0x3] =	stream.linear.gather @!p1 [hbm4b:s10+s12], $0x80, $0x38;
	[tilespmem:$0x145A8] =	vst v63  }
0x8d: {  	p2 =	slt.s32 @!p1 s9, $0x18620;
	s10 =	simm.s32 @!p1 $0xE  }
0x8e: {  	p2 =	por !p2, p1;
	_ =	swait.ge @!p1 [sflag:s10], $0x4000  }
0x8f: {  	s9 =	simm.s32 @p2 $0x18620;
	s11 =	simm.s32 @!p1 $0xC5A8;
	[sflag:s10] =	ssyncset.done @!p1 $0x0  }
0x90: {  	s9 =	sshrl.u32 @!p1 s9, $0x3;
	[sflag:s10] =	ssyncadd.s32 @!p1 $0xFFFFC000;
	s10 =	sadd.s32 @!p1 $0x30000, s6  }
0x91: {  	[hbm4b:s10+s12] =	stream.linear.scatter @!p1 [tilespmem:s11], [sflag:$0x9], $0x4000, $0x38;
	[tilespmem:$0x145A8] =	vst v63  }
0x92: {  	s9 =	sadd.s32 @!p1 s1, s9;
	s10 =	simm.s32 @!p1 $0x4A8  }
0x93: {  	[tilespmem:s10], [sflag:$0x4] =	stream.linear.gather @!p1 [hbm4b:s9+s12], $0x80, $0x38;
	[tilespmem:$0x145A8] =	vst v63  }
0x94: {  	s9 =	sadd.s32 s8, s13  }
0x95: {  	s10 =	sadd.s32 $0x4000, s9  }
.Ltmp2:
0x96: {  	p2 =	slt.s32 s10, $0x18620;
	(pc) =	sbr.rel @p1 .LBB2_4-.Ltmp2, $4  }
0x97: {  	_ =	swait.ge [sflag:s7], $0x4000;
	s10 =	simm.s32 @!p2 $0x18620  }
0x98: {  	[sflag:s7] =	ssyncset.done $0x0;
	s10 =	sshll.u32 s10, $0x4  }
0x99: {  	[sflag:s7] =	ssyncadd.s32 $0xFFFFC000;
	s10 =	sadd.s32 s3, s10  }
0x9a: {  	[hbm4b:s10+s5] =	stream.linear.scatter [tilespmem:s31], [sflag:$0xA], $0x4000, $0x38;
	[tilespmem:$0x145A8] =	vst v63  }
0x9b: {  	s9 =	sadd.s32 $0x9000, s9  }
.Ltmp3:
0x9c: {  	p1 =	slt.s32 s9, $0x18620;
	(pc) =	sbr.rel .LBB2_2-.Ltmp3, $4  }
0x9d: {  	s9 =	simm.s32 @!p1 $0x18620  }
0x9e: {  	s9 =	sshrl.u32 s9, $0x3  }
0x9f: {  	s8 =	sadd.s32 $0x5000, s8;
	s6 =	sadd.s32 $0x50000, s6;
	s9 =	sadd.s32 s1, s9  }
0xa0: {  	[tilespmem:s18], [sflag:$0x5] =	stream.linear.gather [hbm4b:s9+s5], $0x80, $0x38;
	[tilespmem:$0x145A8] =	vst v63  }
.LBB2_5:
0xa1: {  	_ =	sfence.sel $0x180000  }
0xa2: {  	[bflag:$0x0] =	sbarrier.arrive $0xFFFF  }
0xa3: {  	_ =	strace $0x90000047  }
0xa4: {  	[bflag:$0x2] =	sbarrier.arrive $0xFFFF  }
0xa5: {  	s0 =	rddreg [dreg:$0x4]  }
0xa6: {  	s0 =	sadd.s32 @!p0 $0x100000, s0  }
0xa7: {  	[sflag:s0] =	ssyncadd.tile.s32 @!p0 $0x1;
	_ =	shalt  }
.Lfunc_end2:
_tile_overlayer_lowered:
.L_overlay_start_2:
0xa8: {  	(tag) =	ssettag $0x2  }
0xa9: {  	s0 =	rddreg [dreg:$0x0];
	s2 =	stileid.u32  }
0xaa: {  	s1 =	rddreg [dreg:$0x1];
	p0 =	sne.s32 s2, $0x0  }
0xab: {  	s3 =	rddreg [dreg:$0x2];
	[bflag:$0x3] =	sbarrier.arrive $0xFFFF;
	s2 =	simm.s32 @!p0 $0x1C10  }
0xac: {  	[timem:s3], [sflag:s2] =	dma.local @!p0 [hbm:s0], s1  }
0xad: {  	s0 =	simm.s32 @!p0 $0x10  }
0xae: {  	_ =	swait.ge @!p0 [sflag:s0], s1  }
0xaf: {  	s1 =	ssub.s32 @!p0 $0x0, s1;
	[sflag:s0] =	ssyncset.done @!p0 $0x0  }
0xb0: {  	[sflag:s0] =	ssyncadd.s32 @!p0 s1  }
0xb1: {  	[bflag:$0x3] =	sbarrier.arrive $0xFFFF  }
0xb2: {  	_ =	shalt  }

</sc_bundles>
